<compile_context>
chip_gen: v7x
topology: tpu7x:2x2x1
jax: 0.10.2.dev20260603
libtpu: 0.0.44.dev20260713+nightly
codegen_flags: <defaults>
</compile_context>

<pallas_src>
import functools

import jax
import jax.numpy as jnp
from jax.experimental import pallas as pl
from jax.experimental.pallas import tpu as pltpu
from jax.experimental.pallas import tpu_sc as plsc

_NC = 2
_NS = 16
_NW = _NC * _NS


def _linear_body(x_ref, w_ref, b_ref, o_ref):
    o_ref[...] = jax.lax.dot_general(
        x_ref[...], w_ref[...],
        dimension_numbers=(((1,), (1,)), ((), ())),
        preferred_element_type=jnp.float32,
    ) + b_ref[...]


def _linear(x, w, b2d, blk):
    m, k = x.shape
    dout = w.shape[0]
    return pl.pallas_call(
        _linear_body,
        grid=(m // blk,),
        in_specs=[
            pl.BlockSpec((blk, k), lambda i: (i, 0)),
            pl.BlockSpec((dout, k), lambda i: (0, 0)),
            pl.BlockSpec((1, dout), lambda i: (0, 0)),
        ],
        out_specs=pl.BlockSpec((blk, dout), lambda i: (i, 0)),
        out_shape=jax.ShapeDtypeStruct((m, dout), jnp.float32),
    )(x, w, b2d)


def _combine_body(a_ref, b_ref, o_ref):
    o_ref[...] = jnp.maximum(a_ref[...] + b_ref[...], 0.0)


def _make_edge_kernel(n_nodes, n_edges, d):
    e_per_tile = n_edges // _NW
    eb = 40
    nblk = e_per_tile // eb
    pub_tiles = 10
    rows_per_pub = n_nodes // pub_tiles

    mesh = plsc.VectorSubcoreMesh(core_axis_name="c", subcore_axis_name="s")

    @functools.partial(
        pl.kernel,
        out_type=jax.ShapeDtypeStruct((_NC * n_nodes, d), jnp.float32),
        mesh=mesh,
        scratch_types=[
            pltpu.VMEM((e_per_tile,), jnp.int32),
            pltpu.VMEM((e_per_tile,), jnp.int32),
            pltpu.VMEM((eb, d), jnp.float32),
            pltpu.VMEM((eb, d), jnp.float32),
            pltpu.VMEM((eb, d), jnp.float32),
            pltpu.VMEM((eb, d), jnp.float32),
            pltpu.VMEM((eb, d), jnp.float32),
            pltpu.VMEM((eb, d), jnp.float32),
            pltpu.VMEM_SHARED((n_nodes, d), jnp.float32),
            pltpu.SemaphoreType.DMA,
            pltpu.SemaphoreType.DMA,
            pltpu.SemaphoreType.DMA,
            pltpu.SemaphoreType.DMA,
            pltpu.SemaphoreType.DMA,
            pltpu.SemaphoreType.DMA,
            pltpu.SemaphoreType.DMA,
            pltpu.SemaphoreType.DMA,
        ],
    )
    def edge_kernel(p_hbm, r_hbm, src_hbm, dst_hbm, out_hbm,
                    srcv, dstv, rv0, rv1, ps0, ps1, pd0, pd1, acc,
                    psem0, psem1, dsem0, dsem1, rsem0, rsem1,
                    ssem0, ssem1):
        c = jax.lax.axis_index("c")
        s = jax.lax.axis_index("s")
        wid = c * _NS + s
        base = wid * e_per_tile

        bufs = ((rv0, ps0, pd0, psem0, dsem0, rsem0, ssem0),
                (rv1, ps1, pd1, psem1, dsem1, rsem1, ssem1))

        @pl.when(s < pub_tiles)
        def _():
            @pl.loop(0, eb)
            def _(i):
                for j in range(0, d, 16):
                    rv0[i, pl.ds(j, 16)] = jnp.zeros((16,), jnp.float32)

            @pl.loop(0, rows_per_pub, step=eb)
            def _(k):
                pltpu.async_copy(
                    rv0, acc.at[pl.ds(s * rows_per_pub + k, eb)], rsem0)

            @pl.loop(0, rows_per_pub, step=eb)
            def _(k):
                pltpu.make_async_copy(
                    rv0, acc.at[pl.ds(s * rows_per_pub + k, eb)],
                    rsem0).wait()

        plsc.subcore_barrier()

        pltpu.sync_copy(src_hbm.at[pl.ds(base, e_per_tile)], srcv)
        pltpu.sync_copy(dst_hbm.at[pl.ds(base, e_per_tile)], dstv)

        def fetch(g, par):
            rv, ps, pd, psem, dsem, rsem, _ = bufs[par]
            pltpu.async_copy(
                p_hbm.at[srcv.at[pl.ds(g * eb, eb)]], ps, psem)
            pltpu.async_copy(
                p_hbm.at[dstv.at[pl.ds(g * eb, eb)]], pd, dsem)
            pltpu.async_copy(r_hbm.at[pl.ds(base + g * eb, eb)], rv, rsem)

        def wait_fetch(g, par):
            rv, ps, pd, psem, dsem, rsem, _ = bufs[par]
            pltpu.make_async_copy(
                p_hbm.at[srcv.at[pl.ds(g * eb, eb)]], ps, psem).wait()
            pltpu.make_async_copy(
                p_hbm.at[dstv.at[pl.ds(g * eb, eb)]], pd, dsem).wait()
            pltpu.make_async_copy(
                r_hbm.at[pl.ds(base + g * eb, eb)], rv, rsem).wait()

        fetch(0, 0)

        @pl.loop(0, nblk, step=2)
        def _(g0):
            for par in (0, 1):
                g = g0 + par
                rv, ps, pd, _, _, _, ssem = bufs[par]
                orv, _, _, _, _, _, ossem = bufs[1 - par]

                @pl.when(g < nblk)
                def _():
                    @pl.when(g >= 1)
                    def _():
                        pltpu.make_async_copy(
                            orv, acc.at[dstv.at[pl.ds((g - 1) * eb, eb)]],
                            ossem).wait()

                    @pl.when(g + 1 < nblk)
                    def _():
                        fetch(g + 1, 1 - par)

                    wait_fetch(g, par)

                    @pl.loop(0, eb)
                    def _(e):
                        for j in range(0, d, 16):
                            sl = pl.ds(j, 16)
                            rv[e, sl] = jnp.maximum(
                                rv[e, sl] + ps[e, sl] + pd[e, sl], 0.0)

                    pltpu.async_copy(
                        rv, acc.at[dstv.at[pl.ds(g * eb, eb)]], ssem,
                        add=True)

        last = nblk - 1
        lrv = bufs[last % 2][0]
        lsem = bufs[last % 2][6]
        pltpu.make_async_copy(
            lrv, acc.at[dstv.at[pl.ds(last * eb, eb)]], lsem).wait()

        plsc.subcore_barrier()

        @pl.when(s < pub_tiles)
        def _():
            pltpu.sync_copy(
                acc.at[pl.ds(s * rows_per_pub, rows_per_pub)],
                out_hbm.at[pl.ds(c * n_nodes + s * rows_per_pub,
                                 rows_per_pub)],
            )

    return edge_kernel


def kernel(obj_vecs, rel_vecs, edge_index, W_obj, b_obj, W_rel, b_rel):
    n_nodes, d = obj_vecs.shape
    n_edges = rel_vecs.shape[0]

    src = edge_index[:, 0].astype(jnp.int32)
    dst = edge_index[:, 1].astype(jnp.int32)

    p = _linear(obj_vecs, W_obj, b_obj.reshape(1, -1), blk=2000)
    r = _linear(rel_vecs, W_rel, b_rel.reshape(1, -1), blk=2560)

    partials = _make_edge_kernel(n_nodes, n_edges, d)(p, r, src, dst)

    blk = 2000
    out = pl.pallas_call(
        _combine_body,
        grid=(n_nodes // blk,),
        in_specs=[
            pl.BlockSpec((blk, d), lambda i: (i, 0)),
            pl.BlockSpec((blk, d), lambda i: (i + n_nodes // blk, 0)),
        ],
        out_specs=pl.BlockSpec((blk, d), lambda i: (i, 0)),
        out_shape=jax.ShapeDtypeStruct((n_nodes, d), jnp.float32),
    )(partials, partials)
    return out

# --- scband reference (transcript-rebuilt; emitter-appended) ---
"""Pipeline reference for scband-heterogeneous-gnn-91104846283471 (READ-ONLY COPY).

The authoritative reference and input builder live on the scoring server;
editing this copy changes nothing except your own understanding.
"""

import jax, jax.numpy as jnp
import numpy as np

N_NODES = 10000
N_EDGES = 320000
D_OBJ = 128
D_REL = 128
D_OUT = 128


def setup_inputs(seed: int = 0) -> dict:
    key = jax.random.key(seed)
    k1, k2, k3, k4, k5 = jax.random.split(key, 5)
    obj_vecs = jax.random.normal(k1, (N_NODES, D_OBJ), dtype=jnp.float32)
    rel_vecs = jax.random.normal(k2, (N_EDGES, D_REL), dtype=jnp.float32)
    edge_index = jax.random.randint(k3, (N_EDGES, 2), 0, N_NODES, dtype=jnp.int64 if jax.config.read('jax_enable_x64') else jnp.int32)
    # Linear layer params (PyTorch nn.Linear: y = x @ W.T + b)
    W_obj = jax.random.normal(k4, (D_OUT, D_OBJ), dtype=jnp.float32) * (1.0 / np.sqrt(D_OBJ))
    b_obj = jnp.zeros((D_OUT,), dtype=jnp.float32)
    W_rel = jax.random.normal(k5, (D_OUT, D_REL), dtype=jnp.float32) * (1.0 / np.sqrt(D_REL))
    b_rel = jnp.zeros((D_OUT,), dtype=jnp.float32)
    return {"obj_vecs": obj_vecs, "rel_vecs": rel_vecs, "edge_index": edge_index,
            "W_obj": W_obj, "b_obj": b_obj, "W_rel": W_rel, "b_rel": b_rel}


def reference(obj_vecs, rel_vecs, edge_index, W_obj, b_obj, W_rel, b_rel):
    src = edge_index[:, 0]
    dst = edge_index[:, 1]
    # gather endpoint features per edge
    obj_i = jnp.take(obj_vecs, src, axis=0)
    obj_j = jnp.take(obj_vecs, dst, axis=0)
    # message: relu(lin_obj(obj_i) + lin_rel(rel_k) + lin_obj(obj_j))
    # note: b_obj is added twice (once per lin_obj application), matching torch
    msg = jax.nn.relu(obj_i @ W_obj.T + b_obj + rel_vecs @ W_rel.T + b_rel + obj_j @ W_obj.T + b_obj)
    # aggr='add': scatter-add messages to destination nodes (flow source_to_target)
    n_nodes = obj_vecs.shape[0]
    aggr = jnp.zeros((n_nodes, msg.shape[-1]), dtype=msg.dtype).at[dst].add(msg)
    # outer F.relu in HeterogeneousGNN.forward
    return jax.nn.relu(aggr)

if __name__ == "__main__":
    import jax
    _d = setup_inputs()
    print(jax.jit(kernel)(*tuple(_d.values())))

</pallas_src>

<mosaic_0001>
#map = affine_map<(d0, d1) -> (0, 0)>
#map1 = affine_map<(d0, d1) -> (0)>
module attributes {stable_mosaic.version = 14 : i64} {
  func.func @edge_kernel(%arg0: i32, %arg1: i32, %arg2: memref<10000x128xf32, #tpu.memory_space<hbm>>, %arg3: memref<320000x128xf32, #tpu.memory_space<hbm>>, %arg4: memref<320000xi32, #tpu.memory_space<hbm>>, %arg5: memref<320000xi32, #tpu.memory_space<hbm>>, %arg6: memref<20000x128xf32, #tpu.memory_space<hbm>>, %arg7: memref<10000xi32, #tpu.memory_space<vmem>>, %arg8: memref<10000xi32, #tpu.memory_space<vmem>>, %arg9: memref<40x128xf32, #tpu.memory_space<vmem>>, %arg10: memref<40x128xf32, #tpu.memory_space<vmem>>, %arg11: memref<40x128xf32, #tpu.memory_space<vmem>>, %arg12: memref<40x128xf32, #tpu.memory_space<vmem>>, %arg13: memref<40x128xf32, #tpu.memory_space<vmem>>, %arg14: memref<40x128xf32, #tpu.memory_space<vmem>>, %arg15: memref<10000x128xf32, #tpu.memory_space<vmem_shared>>, %arg16: memref<!tpu.dma_semaphore, #tpu.memory_space<semaphore_mem>>, %arg17: memref<!tpu.dma_semaphore, #tpu.memory_space<semaphore_mem>>, %arg18: memref<!tpu.dma_semaphore, #tpu.memory_space<semaphore_mem>>, %arg19: memref<!tpu.dma_semaphore, #tpu.memory_space<semaphore_mem>>, %arg20: memref<!tpu.dma_semaphore, #tpu.memory_space<semaphore_mem>>, %arg21: memref<!tpu.dma_semaphore, #tpu.memory_space<semaphore_mem>>, %arg22: memref<!tpu.dma_semaphore, #tpu.memory_space<semaphore_mem>>, %arg23: memref<!tpu.dma_semaphore, #tpu.memory_space<semaphore_mem>>) attributes {dimension_semantics = [#tpu.dimension_semantics<core_parallel>, #tpu.dimension_semantics<subcore_parallel>], iteration_bounds = array<i64: 2, 16>, scalar_prefetch = 0 : i64, scratch_operands = 17 : i64, tpu.core_type = #tpu.core_type<sc_vector_subcore>, window_params = [{transform_indices = #map}, {transform_indices = #map}, {transform_indices = #map1}, {transform_indices = #map1}, {transform_indices = #map}]} {
    %mul3A = arith.constant 16 : i32
    %mul3A_0 = arith.muli %arg0, %mul3A : i32
    %add3A = arith.addi %mul3A_0, %arg1 : i32
    %mul3A_1 = arith.constant 10000 : i32
    %mul3A_2 = arith.muli %add3A, %mul3A_1 : i32
    %lt3A = arith.constant 10 : i32
    %lt3A_3 = arith.cmpi slt, %arg1, %lt3A : i32
    %convert_element_type3A = arith.extui %lt3A_3 : i1 to i32
    %cond3A = arith.constant 0 : i32
    %cond3A_4 = arith.cmpi ne, %convert_element_type3A, %cond3A : i32
    scf.if %cond3A_4 {
      %scan3A_34 = arith.constant 0 : i32
      %scan3A_35 = arith.constant 40 : i32
      %scan3A_36 = arith.addi %scan3A_34, %scan3A_35 : i32
      %scan3A_37 = arith.constant 1 : i32
      scf.for %scan3A_49 = %scan3A_34 to %scan3A_36 step %scan3A_37  : i32 {
        %mul3A_50 = arith.constant 1 : i32
        %mul3A_51 = arith.muli %scan3A_49, %mul3A_50 : i32
        %add3A_52 = arith.constant 0 : i32
        %add3A_53 = arith.addi %add3A_52, %mul3A_51 : i32
        %broadcast_in_dim3A = arith.constant 0.000000e+00 : f32
        %broadcast_in_dim3A_54 = vector.broadcast %broadcast_in_dim3A : f32 to vector<16xf32>
        %swap3A = arith.index_cast %add3A_53 : i32 to index
        %swap3A_55 = arith.constant 0 : index
        %swap3A_56 = tpu.vector_load %arg9[%swap3A, %swap3A_55] {strides = array<i32>} : memref<40x128xf32, #tpu.memory_space<vmem>>, vector<1x16xf32>,
        %swap3A_57 = vector.shape_cast %swap3A_56 : vector<1x16xf32> to vector<16xf32>
        %swap3A_58 = vector.shape_cast %broadcast_in_dim3A_54 : vector<16xf32> to vector<1x16xf32>
        tpu.vector_store %arg9[%swap3A, %swap3A_55], %swap3A_58 {strides = array<i32>} : memref<40x128xf32, #tpu.memory_space<vmem>>, vector<1x16xf32>,
        %broadcast_in_dim3A_59 = arith.constant 0.000000e+00 : f32
        %broadcast_in_dim3A_60 = vector.broadcast %broadcast_in_dim3A_59 : f32 to vector<16xf32>
        %swap3A_61 = arith.index_cast %add3A_53 : i32 to index
        %swap3A_62 = arith.constant 16 : index
        %swap3A_63 = tpu.vector_load %arg9[%swap3A_61, %swap3A_62] {strides = array<i32>} : memref<40x128xf32, #tpu.memory_space<vmem>>, vector<1x16xf32>,
        %swap3A_64 = vector.shape_cast %swap3A_63 : vector<1x16xf32> to vector<16xf32>
        %swap3A_65 = vector.shape_cast %broadcast_in_dim3A_60 : vector<16xf32> to vector<1x16xf32>
        tpu.vector_store %arg9[%swap3A_61, %swap3A_62], %swap3A_65 {strides = array<i32>} : memref<40x128xf32, #tpu.memory_space<vmem>>, vector<1x16xf32>,
        %broadcast_in_dim3A_66 = arith.constant 0.000000e+00 : f32
        %broadcast_in_dim3A_67 = vector.broadcast %broadcast_in_dim3A_66 : f32 to vector<16xf32>
        %swap3A_68 = arith.index_cast %add3A_53 : i32 to index
        %swap3A_69 = arith.constant 32 : index
        %swap3A_70 = tpu.vector_load %arg9[%swap3A_68, %swap3A_69] {strides = array<i32>} : memref<40x128xf32, #tpu.memory_space<vmem>>, vector<1x16xf32>,
        %swap3A_71 = vector.shape_cast %swap3A_70 : vector<1x16xf32> to vector<16xf32>
        %swap3A_72 = vector.shape_cast %broadcast_in_dim3A_67 : vector<16xf32> to vector<1x16xf32>
        tpu.vector_store %arg9[%swap3A_68, %swap3A_69], %swap3A_72 {strides = array<i32>} : memref<40x128xf32, #tpu.memory_space<vmem>>, vector<1x16xf32>,
        %broadcast_in_dim3A_73 = arith.constant 0.000000e+00 : f32
        %broadcast_in_dim3A_74 = vector.broadcast %broadcast_in_dim3A_73 : f32 to vector<16xf32>
        %swap3A_75 = arith.index_cast %add3A_53 : i32 to index
        %swap3A_76 = arith.constant 48 : index
        %swap3A_77 = tpu.vector_load %arg9[%swap3A_75, %swap3A_76] {strides = array<i32>} : memref<40x128xf32, #tpu.memory_space<vmem>>, vector<1x16xf32>,
        %swap3A_78 = vector.shape_cast %swap3A_77 : vector<1x16xf32> to vector<16xf32>
        %swap3A_79 = vector.shape_cast %broadcast_in_dim3A_74 : vector<16xf32> to vector<1x16xf32>
        tpu.vector_store %arg9[%swap3A_75, %swap3A_76], %swap3A_79 {strides = array<i32>} : memref<40x128xf32, #tpu.memory_space<vmem>>, vector<1x16xf32>,
        %broadcast_in_dim3A_80 = arith.constant 0.000000e+00 : f32
        %broadcast_in_dim3A_81 = vector.broadcast %broadcast_in_dim3A_80 : f32 to vector<16xf32>
        %swap3A_82 = arith.index_cast %add3A_53 : i32 to index
        %swap3A_83 = arith.constant 64 : index
        %swap3A_84 = tpu.vector_load %arg9[%swap3A_82, %swap3A_83] {strides = array<i32>} : memref<40x128xf32, #tpu.memory_space<vmem>>, vector<1x16xf32>,
        %swap3A_85 = vector.shape_cast %swap3A_84 : vector<1x16xf32> to vector<16xf32>
        %swap3A_86 = vector.shape_cast %broadcast_in_dim3A_81 : vector<16xf32> to vector<1x16xf32>
        tpu.vector_store %arg9[%swap3A_82, %swap3A_83], %swap3A_86 {strides = array<i32>} : memref<40x128xf32, #tpu.memory_space<vmem>>, vector<1x16xf32>,
        %broadcast_in_dim3A_87 = arith.constant 0.000000e+00 : f32
        %broadcast_in_dim3A_88 = vector.broadcast %broadcast_in_dim3A_87 : f32 to vector<16xf32>
        %swap3A_89 = arith.index_cast %add3A_53 : i32 to index
        %swap3A_90 = arith.constant 80 : index
        %swap3A_91 = tpu.vector_load %arg9[%swap3A_89, %swap3A_90] {strides = array<i32>} : memref<40x128xf32, #tpu.memory_space<vmem>>, vector<1x16xf32>,
        %swap3A_92 = vector.shape_cast %swap3A_91 : vector<1x16xf32> to vector<16xf32>
        %swap3A_93 = vector.shape_cast %broadcast_in_dim3A_88 : vector<16xf32> to vector<1x16xf32>
        tpu.vector_store %arg9[%swap3A_89, %swap3A_90], %swap3A_93 {strides = array<i32>} : memref<40x128xf32, #tpu.memory_space<vmem>>, vector<1x16xf32>,
        %broadcast_in_dim3A_94 = arith.constant 0.000000e+00 : f32
        %broadcast_in_dim3A_95 = vector.broadcast %broadcast_in_dim3A_94 : f32 to vector<16xf32>
        %swap3A_96 = arith.index_cast %add3A_53 : i32 to index
        %swap3A_97 = arith.constant 96 : index
        %swap3A_98 = tpu.vector_load %arg9[%swap3A_96, %swap3A_97] {strides = array<i32>} : memref<40x128xf32, #tpu.memory_space<vmem>>, vector<1x16xf32>,
        %swap3A_99 = vector.shape_cast %swap3A_98 : vector<1x16xf32> to vector<16xf32>
        %swap3A_100 = vector.shape_cast %broadcast_in_dim3A_95 : vector<16xf32> to vector<1x16xf32>
        tpu.vector_store %arg9[%swap3A_96, %swap3A_97], %swap3A_100 {strides = array<i32>} : memref<40x128xf32, #tpu.memory_space<vmem>>, vector<1x16xf32>,
        %broadcast_in_dim3A_101 = arith.constant 0.000000e+00 : f32
        %broadcast_in_dim3A_102 = vector.broadcast %broadcast_in_dim3A_101 : f32 to vector<16xf32>
        %swap3A_103 = arith.index_cast %add3A_53 : i32 to index
        %swap3A_104 = arith.constant 112 : index
        %swap3A_105 = tpu.vector_load %arg9[%swap3A_103, %swap3A_104] {strides = array<i32>} : memref<40x128xf32, #tpu.memory_space<vmem>>, vector<1x16xf32>,
        %swap3A_106 = vector.shape_cast %swap3A_105 : vector<1x16xf32> to vector<16xf32>
        %swap3A_107 = vector.shape_cast %broadcast_in_dim3A_102 : vector<16xf32> to vector<1x16xf32>
        tpu.vector_store %arg9[%swap3A_103, %swap3A_104], %swap3A_107 {strides = array<i32>} : memref<40x128xf32, #tpu.memory_space<vmem>>, vector<1x16xf32>,
      }
      %scan3A_38 = arith.constant 40 : i32
      %scan3A_39 = arith.constant 0 : i32
      %scan3A_40 = arith.constant 25 : i32
      %scan3A_41 = arith.addi %scan3A_39, %scan3A_40 : i32
      %scan3A_42 = arith.constant 1 : i32
      scf.for %scan3A_49 = %scan3A_39 to %scan3A_41 step %scan3A_42  : i32 {
        %mul3A_50 = arith.constant 40 : i32
        %mul3A_51 = arith.muli %scan3A_49, %mul3A_50 : i32
        %add3A_52 = arith.constant 0 : i32
        %add3A_53 = arith.addi %add3A_52, %mul3A_51 : i32
        %mul3A_54 = arith.constant 1000 : i32
        %mul3A_55 = arith.muli %arg1, %mul3A_54 : i32
        %add3A_56 = arith.addi %mul3A_55, %add3A_53 : i32
        %dma_start3A_57 = arith.constant 0 : i32
        %dma_start3A_58 = tpu.memref_slice %arg15[%add3A_56, %dma_start3A_57] : memref<10000x128xf32, #tpu.memory_space<vmem_shared>> -> memref<40x128xf32, #tpu.memory_space<vmem_shared>>
        %dma_start3A_59 = arith.constant 0 : i32
        %dma_start3A_60 = tpu.memref_slice %arg15[%add3A_56, %dma_start3A_59] : memref<10000x128xf32, #tpu.memory_space<vmem_shared>> -> memref<40x128xf32, #tpu.memory_space<vmem_shared>>
        tpu.enqueue_dma source(%arg9 : memref<40x128xf32, #tpu.memory_space<vmem>>) target(%dma_start3A_60 : memref<40x128xf32, #tpu.memory_space<vmem_shared>>) target_semaphore(%arg20 : memref<!tpu.dma_semaphore, #tpu.memory_space<semaphore_mem>>)
      }
      %scan3A_43 = arith.constant 25 : i32
      %scan3A_44 = arith.constant 0 : i32
      %scan3A_45 = arith.constant 25 : i32
      %scan3A_46 = arith.addi %scan3A_44, %scan3A_45 : i32
      %scan3A_47 = arith.constant 1 : i32
      scf.for %scan3A_49 = %scan3A_44 to %scan3A_46 step %scan3A_47  : i32 {
        %mul3A_50 = arith.constant 40 : i32
        %mul3A_51 = arith.muli %scan3A_49, %mul3A_50 : i32
        %add3A_52 = arith.constant 0 : i32
        %add3A_53 = arith.addi %add3A_52, %mul3A_51 : i32
        %mul3A_54 = arith.constant 1000 : i32
        %mul3A_55 = arith.muli %arg1, %mul3A_54 : i32
        %add3A_56 = arith.addi %mul3A_55, %add3A_53 : i32
        %dma_wait3A_57 = arith.constant 0 : i32
        %dma_wait3A_58 = tpu.memref_slice %arg15[%add3A_56, %dma_wait3A_57] : memref<10000x128xf32, #tpu.memory_space<vmem_shared>> -> memref<40x128xf32, #tpu.memory_space<vmem_shared>>
        %dma_wait3A_59 = arith.constant 0 : i32
        %dma_wait3A_60 = tpu.memref_slice %arg15[%add3A_56, %dma_wait3A_59] : memref<10000x128xf32, #tpu.memory_space<vmem_shared>> -> memref<40x128xf32, #tpu.memory_space<vmem_shared>>
        tpu.wait_dma2 semaphore(%arg20 : memref<!tpu.dma_semaphore, #tpu.memory_space<semaphore_mem>>) src(%arg9 : memref<40x128xf32, #tpu.memory_space<vmem>>) dst(%dma_wait3A_60 : memref<40x128xf32, #tpu.memory_space<vmem_shared>>)
      }
      %scan3A_48 = arith.constant 25 : i32
    } else {
    }
    %barrier3A = arith.constant 0 : index
    tpu.barrier barrier_id(%barrier3A)
    "tpu.region"() ({
      %run_scoped3A = tpu.sem_alloc : memref<!tpu.dma_semaphore, #tpu.memory_space<semaphore_mem>>
      %dma_start3A_34 = tpu.memref_slice %arg4[%mul3A_2] : memref<320000xi32, #tpu.memory_space<hbm>> -> memref<10000xi32, #tpu.memory_space<hbm>>
      %dma_start3A_35 = tpu.memref_slice %arg4[%mul3A_2] : memref<320000xi32, #tpu.memory_space<hbm>> -> memref<10000xi32, #tpu.memory_space<hbm>>
      tpu.enqueue_dma source(%dma_start3A_35 : memref<10000xi32, #tpu.memory_space<hbm>>) target(%arg7 : memref<10000xi32, #tpu.memory_space<vmem>>) target_semaphore(%run_scoped3A : memref<!tpu.dma_semaphore, #tpu.memory_space<semaphore_mem>>)
      %dma_wait3A_36 = tpu.memref_slice %arg4[%mul3A_2] : memref<320000xi32, #tpu.memory_space<hbm>> -> memref<10000xi32, #tpu.memory_space<hbm>>
      %dma_wait3A_37 = tpu.memref_slice %arg4[%mul3A_2] : memref<320000xi32, #tpu.memory_space<hbm>> -> memref<10000xi32, #tpu.memory_space<hbm>>
      tpu.wait_dma2 semaphore(%run_scoped3A : memref<!tpu.dma_semaphore, #tpu.memory_space<semaphore_mem>>) src(%dma_wait3A_37 : memref<10000xi32, #tpu.memory_space<hbm>>) dst(%arg7 : memref<10000xi32, #tpu.memory_space<vmem>>)
      tpu.yield
    }) : () -> ()
    "tpu.region"() ({
      %run_scoped3A = tpu.sem_alloc : memref<!tpu.dma_semaphore, #tpu.memory_space<semaphore_mem>>
      %dma_start3A_34 = tpu.memref_slice %arg5[%mul3A_2] : memref<320000xi32, #tpu.memory_space<hbm>> -> memref<10000xi32, #tpu.memory_space<hbm>>
      %dma_start3A_35 = tpu.memref_slice %arg5[%mul3A_2] : memref<320000xi32, #tpu.memory_space<hbm>> -> memref<10000xi32, #tpu.memory_space<hbm>>
      tpu.enqueue_dma source(%dma_start3A_35 : memref<10000xi32, #tpu.memory_space<hbm>>) target(%arg8 : memref<10000xi32, #tpu.memory_space<vmem>>) target_semaphore(%run_scoped3A : memref<!tpu.dma_semaphore, #tpu.memory_space<semaphore_mem>>)
      %dma_wait3A_36 = tpu.memref_slice %arg5[%mul3A_2] : memref<320000xi32, #tpu.memory_space<hbm>> -> memref<10000xi32, #tpu.memory_space<hbm>>
      %dma_wait3A_37 = tpu.memref_slice %arg5[%mul3A_2] : memref<320000xi32, #tpu.memory_space<hbm>> -> memref<10000xi32, #tpu.memory_space<hbm>>
      tpu.wait_dma2 semaphore(%run_scoped3A : memref<!tpu.dma_semaphore, #tpu.memory_space<semaphore_mem>>) src(%dma_wait3A_37 : memref<10000xi32, #tpu.memory_space<hbm>>) dst(%arg8 : memref<10000xi32, #tpu.memory_space<vmem>>)
      tpu.yield
    }) : () -> ()
    %dma_start3A = arith.constant 0 : i32
    %dma_start3A_5 = tpu.memref_slice %arg7[%dma_start3A] : memref<10000xi32, #tpu.memory_space<vmem>> -> memref<40xi32, #tpu.memory_space<vmem>>
    %dma_start3A_6 = arith.constant 0 : i32
    %dma_start3A_7 = arith.constant 0 : i32
    %dma_start3A_8 = tpu.memref_slice %arg2[%dma_start3A_6, %dma_start3A_7] : memref<10000x128xf32, #tpu.memory_space<hbm>> -> memref<10000x128xf32, #tpu.memory_space<hbm>>
    tpu.enqueue_indirect_dma source(%dma_start3A_8 : memref<10000x128xf32, #tpu.memory_space<hbm>>) target(%arg11 : memref<40x128xf32, #tpu.memory_space<vmem>>) offsets(%dma_start3A_5 : memref<40xi32, #tpu.memory_space<vmem>>) semaphore(%arg16 : memref<!tpu.dma_semaphore, #tpu.memory_space<semaphore_mem>>)
    %dma_start3A_9 = arith.constant 0 : i32
    %dma_start3A_10 = tpu.memref_slice %arg8[%dma_start3A_9] : memref<10000xi32, #tpu.memory_space<vmem>> -> memref<40xi32, #tpu.memory_space<vmem>>
    %dma_start3A_11 = arith.constant 0 : i32
    %dma_start3A_12 = arith.constant 0 : i32
    %dma_start3A_13 = tpu.memref_slice %arg2[%dma_start3A_11, %dma_start3A_12] : memref<10000x128xf32, #tpu.memory_space<hbm>> -> memref<10000x128xf32, #tpu.memory_space<hbm>>
    tpu.enqueue_indirect_dma source(%dma_start3A_13 : memref<10000x128xf32, #tpu.memory_space<hbm>>) target(%arg13 : memref<40x128xf32, #tpu.memory_space<vmem>>) offsets(%dma_start3A_10 : memref<40xi32, #tpu.memory_space<vmem>>) semaphore(%arg18 : memref<!tpu.dma_semaphore, #tpu.memory_space<semaphore_mem>>)
    %add3A_14 = arith.constant 0 : i32
    %add3A_15 = arith.addi %mul3A_2, %add3A_14 : i32
    %dma_start3A_16 = arith.constant 0 : i32
    %dma_start3A_17 = tpu.memref_slice %arg3[%add3A_15, %dma_start3A_16] : memref<320000x128xf32, #tpu.memory_space<hbm>> -> memref<40x128xf32, #tpu.memory_space<hbm>>
    %dma_start3A_18 = arith.constant 0 : i32
    %dma_start3A_19 = tpu.memref_slice %arg3[%add3A_15, %dma_start3A_18] : memref<320000x128xf32, #tpu.memory_space<hbm>> -> memref<40x128xf32, #tpu.memory_space<hbm>>
    tpu.enqueue_dma source(%dma_start3A_19 : memref<40x128xf32, #tpu.memory_space<hbm>>) target(%arg9 : memref<40x128xf32, #tpu.memory_space<vmem>>) target_semaphore(%arg20 : memref<!tpu.dma_semaphore, #tpu.memory_space<semaphore_mem>>)
    %scan3A = arith.constant 0 : i32
    %scan3A_20 = arith.constant 125 : i32
    %scan3A_21 = arith.addi %scan3A, %scan3A_20 : i32
    %scan3A_22 = arith.constant 1 : i32
    scf.for %scan3A_34 = %scan3A to %scan3A_21 step %scan3A_22  : i32 {
      %mul3A_35 = arith.constant 2 : i32
      %mul3A_36 = arith.muli %scan3A_34, %mul3A_35 : i32
      %add3A_37 = arith.constant 0 : i32
      %add3A_38 = arith.addi %add3A_37, %mul3A_36 : i32
      %add3A_39 = arith.constant 0 : i32
      %add3A_40 = arith.addi %add3A_38, %add3A_39 : i32
      %lt3A_41 = arith.constant 250 : i32
      %lt3A_42 = arith.cmpi slt, %add3A_40, %lt3A_41 : i32
      %convert_element_type3A_43 = arith.extui %lt3A_42 : i1 to i32
      %cond3A_44 = arith.constant 0 : i32
      %cond3A_45 = arith.cmpi ne, %convert_element_type3A_43, %cond3A_44 : i32
      scf.if %cond3A_45 {
        %ge3A = arith.constant 1 : i32
        %ge3A_53 = arith.cmpi sge, %add3A_40, %ge3A : i32
        %convert_element_type3A_54 = arith.extui %ge3A_53 : i1 to i32
        %cond3A_55 = arith.constant 0 : i32
        %cond3A_56 = arith.cmpi ne, %convert_element_type3A_54, %cond3A_55 : i32
        scf.if %cond3A_56 {
          %sub3A = arith.constant 1 : i32
          %sub3A_94 = arith.subi %add3A_40, %sub3A : i32
          %mul3A_95 = arith.constant 40 : i32
          %mul3A_96 = arith.muli %sub3A_94, %mul3A_95 : i32
          %dma_wait3A_97 = tpu.memref_slice %arg8[%mul3A_96] : memref<10000xi32, #tpu.memory_space<vmem>> -> memref<40xi32, #tpu.memory_space<vmem>>
          %dma_wait3A_98 = arith.constant 0 : i32
          %dma_wait3A_99 = arith.constant 0 : i32
          %dma_wait3A_100 = tpu.memref_slice %arg15[%dma_wait3A_98, %dma_wait3A_99] : memref<10000x128xf32, #tpu.memory_space<vmem_shared>> -> memref<10000x128xf32, #tpu.memory_space<vmem_shared>>
          tpu.wait_indirect_dma semaphore(%arg23 : memref<!tpu.dma_semaphore, #tpu.memory_space<semaphore_mem>>) src(%arg10 : memref<40x128xf32, #tpu.memory_space<vmem>>) dst(%dma_wait3A_100 : memref<10000x128xf32, #tpu.memory_space<vmem_shared>>)
        } else {
        }
        %add3A_57 = arith.constant 1 : i32
        %add3A_58 = arith.addi %add3A_40, %add3A_57 : i32
        %lt3A_59 = arith.constant 250 : i32
        %lt3A_60 = arith.cmpi slt, %add3A_58, %lt3A_59 : i32
        %convert_element_type3A_61 = arith.extui %lt3A_60 : i1 to i32
        %cond3A_62 = arith.constant 0 : i32
        %cond3A_63 = arith.cmpi ne, %convert_element_type3A_61, %cond3A_62 : i32
        scf.if %cond3A_63 {
          %add3A_94 = arith.constant 1 : i32
          %add3A_95 = arith.addi %add3A_40, %add3A_94 : i32
          %mul3A_96 = arith.constant 40 : i32
          %mul3A_97 = arith.muli %add3A_95, %mul3A_96 : i32
          %dma_start3A_98 = tpu.memref_slice %arg7[%mul3A_97] : memref<10000xi32, #tpu.memory_space<vmem>> -> memref<40xi32, #tpu.memory_space<vmem>>
          %dma_start3A_99 = arith.constant 0 : i32
          %dma_start3A_100 = arith.constant 0 : i32
          %dma_start3A_101 = tpu.memref_slice %arg2[%dma_start3A_99, %dma_start3A_100] : memref<10000x128xf32, #tpu.memory_space<hbm>> -> memref<10000x128xf32, #tpu.memory_space<hbm>>
          tpu.enqueue_indirect_dma source(%dma_start3A_101 : memref<10000x128xf32, #tpu.memory_space<hbm>>) target(%arg12 : memref<40x128xf32, #tpu.memory_space<vmem>>) offsets(%dma_start3A_98 : memref<40xi32, #tpu.memory_space<vmem>>) semaphore(%arg17 : memref<!tpu.dma_semaphore, #tpu.memory_space<semaphore_mem>>)
          %mul3A_102 = arith.constant 40 : i32
          %mul3A_103 = arith.muli %add3A_95, %mul3A_102 : i32
          %dma_start3A_104 = tpu.memref_slice %arg8[%mul3A_103] : memref<10000xi32, #tpu.memory_space<vmem>> -> memref<40xi32, #tpu.memory_space<vmem>>
          %dma_start3A_105 = arith.constant 0 : i32
          %dma_start3A_106 = arith.constant 0 : i32
          %dma_start3A_107 = tpu.memref_slice %arg2[%dma_start3A_105, %dma_start3A_106] : memref<10000x128xf32, #tpu.memory_space<hbm>> -> memref<10000x128xf32, #tpu.memory_space<hbm>>
          tpu.enqueue_indirect_dma source(%dma_start3A_107 : memref<10000x128xf32, #tpu.memory_space<hbm>>) target(%arg14 : memref<40x128xf32, #tpu.memory_space<vmem>>) offsets(%dma_start3A_104 : memref<40xi32, #tpu.memory_space<vmem>>) semaphore(%arg19 : memref<!tpu.dma_semaphore, #tpu.memory_space<semaphore_mem>>)
          %mul3A_108 = arith.constant 40 : i32
          %mul3A_109 = arith.muli %add3A_95, %mul3A_108 : i32
          %add3A_110 = arith.addi %mul3A_2, %mul3A_109 : i32
          %dma_start3A_111 = arith.constant 0 : i32
          %dma_start3A_112 = tpu.memref_slice %arg3[%add3A_110, %dma_start3A_111] : memref<320000x128xf32, #tpu.memory_space<hbm>> -> memref<40x128xf32, #tpu.memory_space<hbm>>
          %dma_start3A_113 = arith.constant 0 : i32
          %dma_start3A_114 = tpu.memref_slice %arg3[%add3A_110, %dma_start3A_113] : memref<320000x128xf32, #tpu.memory_space<hbm>> -> memref<40x128xf32, #tpu.memory_space<hbm>>
          tpu.enqueue_dma source(%dma_start3A_114 : memref<40x128xf32, #tpu.memory_space<hbm>>) target(%arg10 : memref<40x128xf32, #tpu.memory_space<vmem>>) target_semaphore(%arg21 : memref<!tpu.dma_semaphore, #tpu.memory_space<semaphore_mem>>)
        } else {
        }
        %mul3A_64 = arith.constant 40 : i32
        %mul3A_65 = arith.muli %add3A_40, %mul3A_64 : i32
        %dma_wait3A_66 = tpu.memref_slice %arg7[%mul3A_65] : memref<10000xi32, #tpu.memory_space<vmem>> -> memref<40xi32, #tpu.memory_space<vmem>>
        %dma_wait3A_67 = arith.constant 0 : i32
        %dma_wait3A_68 = arith.constant 0 : i32
        %dma_wait3A_69 = tpu.memref_slice %arg2[%dma_wait3A_67, %dma_wait3A_68] : memref<10000x128xf32, #tpu.memory_space<hbm>> -> memref<10000x128xf32, #tpu.memory_space<hbm>>
        tpu.wait_indirect_dma semaphore(%arg16 : memref<!tpu.dma_semaphore, #tpu.memory_space<semaphore_mem>>) src(%dma_wait3A_69 : memref<10000x128xf32, #tpu.memory_space<hbm>>) dst(%arg11 : memref<40x128xf32, #tpu.memory_space<vmem>>)
        %mul3A_70 = arith.constant 40 : i32
        %mul3A_71 = arith.muli %add3A_40, %mul3A_70 : i32
        %dma_wait3A_72 = tpu.memref_slice %arg8[%mul3A_71] : memref<10000xi32, #tpu.memory_space<vmem>> -> memref<40xi32, #tpu.memory_space<vmem>>
        %dma_wait3A_73 = arith.constant 0 : i32
        %dma_wait3A_74 = arith.constant 0 : i32
        %dma_wait3A_75 = tpu.memref_slice %arg2[%dma_wait3A_73, %dma_wait3A_74] : memref<10000x128xf32, #tpu.memory_space<hbm>> -> memref<10000x128xf32, #tpu.memory_space<hbm>>
        tpu.wait_indirect_dma semaphore(%arg18 : memref<!tpu.dma_semaphore, #tpu.memory_space<semaphore_mem>>) src(%dma_wait3A_75 : memref<10000x128xf32, #tpu.memory_space<hbm>>) dst(%arg13 : memref<40x128xf32, #tpu.memory_space<vmem>>)
        %mul3A_76 = arith.constant 40 : i32
        %mul3A_77 = arith.muli %add3A_40, %mul3A_76 : i32
        %add3A_78 = arith.addi %mul3A_2, %mul3A_77 : i32
        %dma_wait3A_79 = arith.constant 0 : i32
        %dma_wait3A_80 = tpu.memref_slice %arg3[%add3A_78, %dma_wait3A_79] : memref<320000x128xf32, #tpu.memory_space<hbm>> -> memref<40x128xf32, #tpu.memory_space<hbm>>
        %dma_wait3A_81 = arith.constant 0 : i32
        %dma_wait3A_82 = tpu.memref_slice %arg3[%add3A_78, %dma_wait3A_81] : memref<320000x128xf32, #tpu.memory_space<hbm>> -> memref<40x128xf32, #tpu.memory_space<hbm>>
        tpu.wait_dma2 semaphore(%arg20 : memref<!tpu.dma_semaphore, #tpu.memory_space<semaphore_mem>>) src(%dma_wait3A_82 : memref<40x128xf32, #tpu.memory_space<hbm>>) dst(%arg9 : memref<40x128xf32, #tpu.memory_space<vmem>>)
        %scan3A_83 = arith.constant 0 : i32
        %scan3A_84 = arith.constant 40 : i32
        %scan3A_85 = arith.addi %scan3A_83, %scan3A_84 : i32
        %scan3A_86 = arith.constant 1 : i32
        scf.for %scan3A_94 = %scan3A_83 to %scan3A_85 step %scan3A_86  : i32 {
          %mul3A_95 = arith.constant 1 : i32
          %mul3A_96 = arith.muli %scan3A_94, %mul3A_95 : i32
          %add3A_97 = arith.constant 0 : i32
          %add3A_98 = arith.addi %add3A_97, %mul3A_96 : i32
          %get3A = arith.index_cast %add3A_98 : i32 to index
          %get3A_99 = arith.constant 0 : index
          %get3A_100 = tpu.vector_load %arg9[%get3A, %get3A_99] {strides = array<i32>} : memref<40x128xf32, #tpu.memory_space<vmem>>, vector<1x16xf32>,
          %get3A_101 = vector.shape_cast %get3A_100 : vector<1x16xf32> to vector<16xf32>
          %get3A_102 = arith.index_cast %add3A_98 : i32 to index
          %get3A_103 = arith.constant 0 : index
          %get3A_104 = tpu.vector_load %arg11[%get3A_102, %get3A_103] {strides = array<i32>} : memref<40x128xf32, #tpu.memory_space<vmem>>, vector<1x16xf32>,
          %get3A_105 = vector.shape_cast %get3A_104 : vector<1x16xf32> to vector<16xf32>
          %add3A_106 = arith.addf %get3A_101, %get3A_105 : vector<16xf32>
          %get3A_107 = arith.index_cast %add3A_98 : i32 to index
          %get3A_108 = arith.constant 0 : index
          %get3A_109 = tpu.vector_load %arg13[%get3A_107, %get3A_108] {strides = array<i32>} : memref<40x128xf32, #tpu.memory_space<vmem>>, vector<1x16xf32>,
          %get3A_110 = vector.shape_cast %get3A_109 : vector<1x16xf32> to vector<16xf32>
          %add3A_111 = arith.addf %add3A_106, %get3A_110 : vector<16xf32>
          %max3A = arith.constant 0.000000e+00 : f32
          %max3A_112 = vector.broadcast %max3A : f32 to vector<16xf32>
          %max3A_113 = arith.maximumf %add3A_111, %max3A_112 : vector<16xf32>
          %swap3A = arith.index_cast %add3A_98 : i32 to index
          %swap3A_114 = arith.constant 0 : index
          %swap3A_115 = tpu.vector_load %arg9[%swap3A, %swap3A_114] {strides = array<i32>} : memref<40x128xf32, #tpu.memory_space<vmem>>, vector<1x16xf32>,
          %swap3A_116 = vector.shape_cast %swap3A_115 : vector<1x16xf32> to vector<16xf32>
          %swap3A_117 = vector.shape_cast %max3A_113 : vector<16xf32> to vector<1x16xf32>
          tpu.vector_store %arg9[%swap3A, %swap3A_114], %swap3A_117 {strides = array<i32>} : memref<40x128xf32, #tpu.memory_space<vmem>>, vector<1x16xf32>,
          %get3A_118 = arith.index_cast %add3A_98 : i32 to index
          %get3A_119 = arith.constant 16 : index
          %get3A_120 = tpu.vector_load %arg9[%get3A_118, %get3A_119] {strides = array<i32>} : memref<40x128xf32, #tpu.memory_space<vmem>>, vector<1x16xf32>,
          %get3A_121 = vector.shape_cast %get3A_120 : vector<1x16xf32> to vector<16xf32>
          %get3A_122 = arith.index_cast %add3A_98 : i32 to index
          %get3A_123 = arith.constant 16 : index
          %get3A_124 = tpu.vector_load %arg11[%get3A_122, %get3A_123] {strides = array<i32>} : memref<40x128xf32, #tpu.memory_space<vmem>>, vector<1x16xf32>,
          %get3A_125 = vector.shape_cast %get3A_124 : vector<1x16xf32> to vector<16xf32>
          %add3A_126 = arith.addf %get3A_121, %get3A_125 : vector<16xf32>
          %get3A_127 = arith.index_cast %add3A_98 : i32 to index
          %get3A_128 = arith.constant 16 : index
          %get3A_129 = tpu.vector_load %arg13[%get3A_127, %get3A_128] {strides = array<i32>} : memref<40x128xf32, #tpu.memory_space<vmem>>, vector<1x16xf32>,
          %get3A_130 = vector.shape_cast %get3A_129 : vector<1x16xf32> to vector<16xf32>
          %add3A_131 = arith.addf %add3A_126, %get3A_130 : vector<16xf32>
          %max3A_132 = arith.constant 0.000000e+00 : f32
          %max3A_133 = vector.broadcast %max3A_132 : f32 to vector<16xf32>
          %max3A_134 = arith.maximumf %add3A_131, %max3A_133 : vector<16xf32>
          %swap3A_135 = arith.index_cast %add3A_98 : i32 to index
          %swap3A_136 = arith.constant 16 : index
          %swap3A_137 = tpu.vector_load %arg9[%swap3A_135, %swap3A_136] {strides = array<i32>} : memref<40x128xf32, #tpu.memory_space<vmem>>, vector<1x16xf32>,
          %swap3A_138 = vector.shape_cast %swap3A_137 : vector<1x16xf32> to vector<16xf32>
          %swap3A_139 = vector.shape_cast %max3A_134 : vector<16xf32> to vector<1x16xf32>
          tpu.vector_store %arg9[%swap3A_135, %swap3A_136], %swap3A_139 {strides = array<i32>} : memref<40x128xf32, #tpu.memory_space<vmem>>, vector<1x16xf32>,
          %get3A_140 = arith.index_cast %add3A_98 : i32 to index
          %get3A_141 = arith.constant 32 : index
          %get3A_142 = tpu.vector_load %arg9[%get3A_140, %get3A_141] {strides = array<i32>} : memref<40x128xf32, #tpu.memory_space<vmem>>, vector<1x16xf32>,
          %get3A_143 = vector.shape_cast %get3A_142 : vector<1x16xf32> to vector<16xf32>
          %get3A_144 = arith.index_cast %add3A_98 : i32 to index
          %get3A_145 = arith.constant 32 : index
          %get3A_146 = tpu.vector_load %arg11[%get3A_144, %get3A_145] {strides = array<i32>} : memref<40x128xf32, #tpu.memory_space<vmem>>, vector<1x16xf32>,
          %get3A_147 = vector.shape_cast %get3A_146 : vector<1x16xf32> to vector<16xf32>
          %add3A_148 = arith.addf %get3A_143, %get3A_147 : vector<16xf32>
          %get3A_149 = arith.index_cast %add3A_98 : i32 to index
          %get3A_150 = arith.constant 32 : index
          %get3A_151 = tpu.vector_load %arg13[%get3A_149, %get3A_150] {strides = array<i32>} : memref<40x128xf32, #tpu.memory_space<vmem>>, vector<1x16xf32>,
          %get3A_152 = vector.shape_cast %get3A_151 : vector<1x16xf32> to vector<16xf32>
          %add3A_153 = arith.addf %add3A_148, %get3A_152 : vector<16xf32>
          %max3A_154 = arith.constant 0.000000e+00 : f32
          %max3A_155 = vector.broadcast %max3A_154 : f32 to vector<16xf32>
          %max3A_156 = arith.maximumf %add3A_153, %max3A_155 : vector<16xf32>
          %swap3A_157 = arith.index_cast %add3A_98 : i32 to index
          %swap3A_158 = arith.constant 32 : index
          %swap3A_159 = tpu.vector_load %arg9[%swap3A_157, %swap3A_158] {strides = array<i32>} : memref<40x128xf32, #tpu.memory_space<vmem>>, vector<1x16xf32>,
          %swap3A_160 = vector.shape_cast %swap3A_159 : vector<1x16xf32> to vector<16xf32>
          %swap3A_161 = vector.shape_cast %max3A_156 : vector<16xf32> to vector<1x16xf32>
          tpu.vector_store %arg9[%swap3A_157, %swap3A_158], %swap3A_161 {strides = array<i32>} : memref<40x128xf32, #tpu.memory_space<vmem>>, vector<1x16xf32>,
          %get3A_162 = arith.index_cast %add3A_98 : i32 to index
          %get3A_163 = arith.constant 48 : index
          %get3A_164 = tpu.vector_load %arg9[%get3A_162, %get3A_163] {strides = array<i32>} : memref<40x128xf32, #tpu.memory_space<vmem>>, vector<1x16xf32>,
          %get3A_165 = vector.shape_cast %get3A_164 : vector<1x16xf32> to vector<16xf32>
          %get3A_166 = arith.index_cast %add3A_98 : i32 to index
          %get3A_167 = arith.constant 48 : index
          %get3A_168 = tpu.vector_load %arg11[%get3A_166, %get3A_167] {strides = array<i32>} : memref<40x128xf32, #tpu.memory_space<vmem>>, vector<1x16xf32>,
          %get3A_169 = vector.shape_cast %get3A_168 : vector<1x16xf32> to vector<16xf32>
          %add3A_170 = arith.addf %get3A_165, %get3A_169 : vector<16xf32>
          %get3A_171 = arith.index_cast %add3A_98 : i32 to index
          %get3A_172 = arith.constant 48 : index
          %get3A_173 = tpu.vector_load %arg13[%get3A_171, %get3A_172] {strides = array<i32>} : memref<40x128xf32, #tpu.memory_space<vmem>>, vector<1x16xf32>,
          %get3A_174 = vector.shape_cast %get3A_173 : vector<1x16xf32> to vector<16xf32>
          %add3A_175 = arith.addf %add3A_170, %get3A_174 : vector<16xf32>
          %max3A_176 = arith.constant 0.000000e+00 : f32
          %max3A_177 = vector.broadcast %max3A_176 : f32 to vector<16xf32>
          %max3A_178 = arith.maximumf %add3A_175, %max3A_177 : vector<16xf32>
          %swap3A_179 = arith.index_cast %add3A_98 : i32 to index
          %swap3A_180 = arith.constant 48 : index
          %swap3A_181 = tpu.vector_load %arg9[%swap3A_179, %swap3A_180] {strides = array<i32>} : memref<40x128xf32, #tpu.memory_space<vmem>>, vector<1x16xf32>,
          %swap3A_182 = vector.shape_cast %swap3A_181 : vector<1x16xf32> to vector<16xf32>
          %swap3A_183 = vector.shape_cast %max3A_178 : vector<16xf32> to vector<1x16xf32>
          tpu.vector_store %arg9[%swap3A_179, %swap3A_180], %swap3A_183 {strides = array<i32>} : memref<40x128xf32, #tpu.memory_space<vmem>>, vector<1x16xf32>,
          %get3A_184 = arith.index_cast %add3A_98 : i32 to index
          %get3A_185 = arith.constant 64 : index
          %get3A_186 = tpu.vector_load %arg9[%get3A_184, %get3A_185] {strides = array<i32>} : memref<40x128xf32, #tpu.memory_space<vmem>>, vector<1x16xf32>,
          %get3A_187 = vector.shape_cast %get3A_186 : vector<1x16xf32> to vector<16xf32>
          %get3A_188 = arith.index_cast %add3A_98 : i32 to index
          %get3A_189 = arith.constant 64 : index
          %get3A_190 = tpu.vector_load %arg11[%get3A_188, %get3A_189] {strides = array<i32>} : memref<40x128xf32, #tpu.memory_space<vmem>>, vector<1x16xf32>,
          %get3A_191 = vector.shape_cast %get3A_190 : vector<1x16xf32> to vector<16xf32>
          %add3A_192 = arith.addf %get3A_187, %get3A_191 : vector<16xf32>
          %get3A_193 = arith.index_cast %add3A_98 : i32 to index
          %get3A_194 = arith.constant 64 : index
          %get3A_195 = tpu.vector_load %arg13[%get3A_193, %get3A_194] {strides = array<i32>} : memref<40x128xf32, #tpu.memory_space<vmem>>, vector<1x16xf32>,
          %get3A_196 = vector.shape_cast %get3A_195 : vector<1x16xf32> to vector<16xf32>
          %add3A_197 = arith.addf %add3A_192, %get3A_196 : vector<16xf32>
          %max3A_198 = arith.constant 0.000000e+00 : f32
          %max3A_199 = vector.broadcast %max3A_198 : f32 to vector<16xf32>
          %max3A_200 = arith.maximumf %add3A_197, %max3A_199 : vector<16xf32>
          %swap3A_201 = arith.index_cast %add3A_98 : i32 to index
          %swap3A_202 = arith.constant 64 : index
          %swap3A_203 = tpu.vector_load %arg9[%swap3A_201, %swap3A_202] {strides = array<i32>} : memref<40x128xf32, #tpu.memory_space<vmem>>, vector<1x16xf32>,
          %swap3A_204 = vector.shape_cast %swap3A_203 : vector<1x16xf32> to vector<16xf32>
          %swap3A_205 = vector.shape_cast %max3A_200 : vector<16xf32> to vector<1x16xf32>
          tpu.vector_store %arg9[%swap3A_201, %swap3A_202], %swap3A_205 {strides = array<i32>} : memref<40x128xf32, #tpu.memory_space<vmem>>, vector<1x16xf32>,
          %get3A_206 = arith.index_cast %add3A_98 : i32 to index
          %get3A_207 = arith.constant 80 : index
          %get3A_208 = tpu.vector_load %arg9[%get3A_206, %get3A_207] {strides = array<i32>} : memref<40x128xf32, #tpu.memory_space<vmem>>, vector<1x16xf32>,
          %get3A_209 = vector.shape_cast %get3A_208 : vector<1x16xf32> to vector<16xf32>
          %get3A_210 = arith.index_cast %add3A_98 : i32 to index
          %get3A_211 = arith.constant 80 : index
          %get3A_212 = tpu.vector_load %arg11[%get3A_210, %get3A_211] {strides = array<i32>} : memref<40x128xf32, #tpu.memory_space<vmem>>, vector<1x16xf32>,
          %get3A_213 = vector.shape_cast %get3A_212 : vector<1x16xf32> to vector<16xf32>
          %add3A_214 = arith.addf %get3A_209, %get3A_213 : vector<16xf32>
          %get3A_215 = arith.index_cast %add3A_98 : i32 to index
          %get3A_216 = arith.constant 80 : index
          %get3A_217 = tpu.vector_load %arg13[%get3A_215, %get3A_216] {strides = array<i32>} : memref<40x128xf32, #tpu.memory_space<vmem>>, vector<1x16xf32>,
          %get3A_218 = vector.shape_cast %get3A_217 : vector<1x16xf32> to vector<16xf32>
          %add3A_219 = arith.addf %add3A_214, %get3A_218 : vector<16xf32>
          %max3A_220 = arith.constant 0.000000e+00 : f32
          %max3A_221 = vector.broadcast %max3A_220 : f32 to vector<16xf32>
          %max3A_222 = arith.maximumf %add3A_219, %max3A_221 : vector<16xf32>
          %swap3A_223 = arith.index_cast %add3A_98 : i32 to index
          %swap3A_224 = arith.constant 80 : index
          %swap3A_225 = tpu.vector_load %arg9[%swap3A_223, %swap3A_224] {strides = array<i32>} : memref<40x128xf32, #tpu.memory_space<vmem>>, vector<1x16xf32>,
          %swap3A_226 = vector.shape_cast %swap3A_225 : vector<1x16xf32> to vector<16xf32>
          %swap3A_227 = vector.shape_cast %max3A_222 : vector<16xf32> to vector<1x16xf32>
          tpu.vector_store %arg9[%swap3A_223, %swap3A_224], %swap3A_227 {strides = array<i32>} : memref<40x128xf32, #tpu.memory_space<vmem>>, vector<1x16xf32>,
          %get3A_228 = arith.index_cast %add3A_98 : i32 to index
          %get3A_229 = arith.constant 96 : index
          %get3A_230 = tpu.vector_load %arg9[%get3A_228, %get3A_229] {strides = array<i32>} : memref<40x128xf32, #tpu.memory_space<vmem>>, vector<1x16xf32>,
          %get3A_231 = vector.shape_cast %get3A_230 : vector<1x16xf32> to vector<16xf32>
          %get3A_232 = arith.index_cast %add3A_98 : i32 to index
          %get3A_233 = arith.constant 96 : index
          %get3A_234 = tpu.vector_load %arg11[%get3A_232, %get3A_233] {strides = array<i32>} : memref<40x128xf32, #tpu.memory_space<vmem>>, vector<1x16xf32>,
          %get3A_235 = vector.shape_cast %get3A_234 : vector<1x16xf32> to vector<16xf32>
          %add3A_236 = arith.addf %get3A_231, %get3A_235 : vector<16xf32>
          %get3A_237 = arith.index_cast %add3A_98 : i32 to index
          %get3A_238 = arith.constant 96 : index
          %get3A_239 = tpu.vector_load %arg13[%get3A_237, %get3A_238] {strides = array<i32>} : memref<40x128xf32, #tpu.memory_space<vmem>>, vector<1x16xf32>,
          %get3A_240 = vector.shape_cast %get3A_239 : vector<1x16xf32> to vector<16xf32>
          %add3A_241 = arith.addf %add3A_236, %get3A_240 : vector<16xf32>
          %max3A_242 = arith.constant 0.000000e+00 : f32
          %max3A_243 = vector.broadcast %max3A_242 : f32 to vector<16xf32>
          %max3A_244 = arith.maximumf %add3A_241, %max3A_243 : vector<16xf32>
          %swap3A_245 = arith.index_cast %add3A_98 : i32 to index
          %swap3A_246 = arith.constant 96 : index
          %swap3A_247 = tpu.vector_load %arg9[%swap3A_245, %swap3A_246] {strides = array<i32>} : memref<40x128xf32, #tpu.memory_space<vmem>>, vector<1x16xf32>,
          %swap3A_248 = vector.shape_cast %swap3A_247 : vector<1x16xf32> to vector<16xf32>
          %swap3A_249 = vector.shape_cast %max3A_244 : vector<16xf32> to vector<1x16xf32>
          tpu.vector_store %arg9[%swap3A_245, %swap3A_246], %swap3A_249 {strides = array<i32>} : memref<40x128xf32, #tpu.memory_space<vmem>>, vector<1x16xf32>,
          %get3A_250 = arith.index_cast %add3A_98 : i32 to index
          %get3A_251 = arith.constant 112 : index
          %get3A_252 = tpu.vector_load %arg9[%get3A_250, %get3A_251] {strides = array<i32>} : memref<40x128xf32, #tpu.memory_space<vmem>>, vector<1x16xf32>,
          %get3A_253 = vector.shape_cast %get3A_252 : vector<1x16xf32> to vector<16xf32>
          %get3A_254 = arith.index_cast %add3A_98 : i32 to index
          %get3A_255 = arith.constant 112 : index
          %get3A_256 = tpu.vector_load %arg11[%get3A_254, %get3A_255] {strides = array<i32>} : memref<40x128xf32, #tpu.memory_space<vmem>>, vector<1x16xf32>,
          %get3A_257 = vector.shape_cast %get3A_256 : vector<1x16xf32> to vector<16xf32>
          %add3A_258 = arith.addf %get3A_253, %get3A_257 : vector<16xf32>
          %get3A_259 = arith.index_cast %add3A_98 : i32 to index
          %get3A_260 = arith.constant 112 : index
          %get3A_261 = tpu.vector_load %arg13[%get3A_259, %get3A_260] {strides = array<i32>} : memref<40x128xf32, #tpu.memory_space<vmem>>, vector<1x16xf32>,
          %get3A_262 = vector.shape_cast %get3A_261 : vector<1x16xf32> to vector<16xf32>
          %add3A_263 = arith.addf %add3A_258, %get3A_262 : vector<16xf32>
          %max3A_264 = arith.constant 0.000000e+00 : f32
          %max3A_265 = vector.broadcast %max3A_264 : f32 to vector<16xf32>
          %max3A_266 = arith.maximumf %add3A_263, %max3A_265 : vector<16xf32>
          %swap3A_267 = arith.index_cast %add3A_98 : i32 to index
          %swap3A_268 = arith.constant 112 : index
          %swap3A_269 = tpu.vector_load %arg9[%swap3A_267, %swap3A_268] {strides = array<i32>} : memref<40x128xf32, #tpu.memory_space<vmem>>, vector<1x16xf32>,
          %swap3A_270 = vector.shape_cast %swap3A_269 : vector<1x16xf32> to vector<16xf32>
          %swap3A_271 = vector.shape_cast %max3A_266 : vector<16xf32> to vector<1x16xf32>
          tpu.vector_store %arg9[%swap3A_267, %swap3A_268], %swap3A_271 {strides = array<i32>} : memref<40x128xf32, #tpu.memory_space<vmem>>, vector<1x16xf32>,
        }
        %scan3A_87 = arith.constant 40 : i32
        %mul3A_88 = arith.constant 40 : i32
        %mul3A_89 = arith.muli %add3A_40, %mul3A_88 : i32
        %dma_start3A_90 = tpu.memref_slice %arg8[%mul3A_89] : memref<10000xi32, #tpu.memory_space<vmem>> -> memref<40xi32, #tpu.memory_space<vmem>>
        %dma_start3A_91 = arith.constant 0 : i32
        %dma_start3A_92 = arith.constant 0 : i32
        %dma_start3A_93 = tpu.memref_slice %arg15[%dma_start3A_91, %dma_start3A_92] : memref<10000x128xf32, #tpu.memory_space<vmem_shared>> -> memref<10000x128xf32, #tpu.memory_space<vmem_shared>>
        tpu.enqueue_indirect_dma source(%arg9 : memref<40x128xf32, #tpu.memory_space<vmem>>) target(%dma_start3A_93 : memref<10000x128xf32, #tpu.memory_space<vmem_shared>>) offsets(%dma_start3A_90 : memref<40xi32, #tpu.memory_space<vmem>>) semaphore(%arg22 : memref<!tpu.dma_semaphore, #tpu.memory_space<semaphore_mem>>) {add = true}
      } else {
      }
      %add3A_46 = arith.constant 1 : i32
      %add3A_47 = arith.addi %add3A_38, %add3A_46 : i32
      %lt3A_48 = arith.constant 250 : i32
      %lt3A_49 = arith.cmpi slt, %add3A_47, %lt3A_48 : i32
      %convert_element_type3A_50 = arith.extui %lt3A_49 : i1 to i32
      %cond3A_51 = arith.constant 0 : i32
      %cond3A_52 = arith.cmpi ne, %convert_element_type3A_50, %cond3A_51 : i32
      scf.if %cond3A_52 {
        %ge3A = arith.constant 1 : i32
        %ge3A_53 = arith.cmpi sge, %add3A_47, %ge3A : i32
        %convert_element_type3A_54 = arith.extui %ge3A_53 : i1 to i32
        %cond3A_55 = arith.constant 0 : i32
        %cond3A_56 = arith.cmpi ne, %convert_element_type3A_54, %cond3A_55 : i32
        scf.if %cond3A_56 {
          %sub3A = arith.constant 1 : i32
          %sub3A_94 = arith.subi %add3A_47, %sub3A : i32
          %mul3A_95 = arith.constant 40 : i32
          %mul3A_96 = arith.muli %sub3A_94, %mul3A_95 : i32
          %dma_wait3A_97 = tpu.memref_slice %arg8[%mul3A_96] : memref<10000xi32, #tpu.memory_space<vmem>> -> memref<40xi32, #tpu.memory_space<vmem>>
          %dma_wait3A_98 = arith.constant 0 : i32
          %dma_wait3A_99 = arith.constant 0 : i32
          %dma_wait3A_100 = tpu.memref_slice %arg15[%dma_wait3A_98, %dma_wait3A_99] : memref<10000x128xf32, #tpu.memory_space<vmem_shared>> -> memref<10000x128xf32, #tpu.memory_space<vmem_shared>>
          tpu.wait_indirect_dma semaphore(%arg22 : memref<!tpu.dma_semaphore, #tpu.memory_space<semaphore_mem>>) src(%arg9 : memref<40x128xf32, #tpu.memory_space<vmem>>) dst(%dma_wait3A_100 : memref<10000x128xf32, #tpu.memory_space<vmem_shared>>)
        } else {
        }
        %add3A_57 = arith.constant 1 : i32
        %add3A_58 = arith.addi %add3A_47, %add3A_57 : i32
        %lt3A_59 = arith.constant 250 : i32
        %lt3A_60 = arith.cmpi slt, %add3A_58, %lt3A_59 : i32
        %convert_element_type3A_61 = arith.extui %lt3A_60 : i1 to i32
        %cond3A_62 = arith.constant 0 : i32
        %cond3A_63 = arith.cmpi ne, %convert_element_type3A_61, %cond3A_62 : i32
        scf.if %cond3A_63 {
          %add3A_94 = arith.constant 1 : i32
          %add3A_95 = arith.addi %add3A_47, %add3A_94 : i32
          %mul3A_96 = arith.constant 40 : i32
          %mul3A_97 = arith.muli %add3A_95, %mul3A_96 : i32
          %dma_start3A_98 = tpu.memref_slice %arg7[%mul3A_97] : memref<10000xi32, #tpu.memory_space<vmem>> -> memref<40xi32, #tpu.memory_space<vmem>>
          %dma_start3A_99 = arith.constant 0 : i32
          %dma_start3A_100 = arith.constant 0 : i32
          %dma_start3A_101 = tpu.memref_slice %arg2[%dma_start3A_99, %dma_start3A_100] : memref<10000x128xf32, #tpu.memory_space<hbm>> -> memref<10000x128xf32, #tpu.memory_space<hbm>>
          tpu.enqueue_indirect_dma source(%dma_start3A_101 : memref<10000x128xf32, #tpu.memory_space<hbm>>) target(%arg11 : memref<40x128xf32, #tpu.memory_space<vmem>>) offsets(%dma_start3A_98 : memref<40xi32, #tpu.memory_space<vmem>>) semaphore(%arg16 : memref<!tpu.dma_semaphore, #tpu.memory_space<semaphore_mem>>)
          %mul3A_102 = arith.constant 40 : i32
          %mul3A_103 = arith.muli %add3A_95, %mul3A_102 : i32
          %dma_start3A_104 = tpu.memref_slice %arg8[%mul3A_103] : memref<10000xi32, #tpu.memory_space<vmem>> -> memref<40xi32, #tpu.memory_space<vmem>>
          %dma_start3A_105 = arith.constant 0 : i32
          %dma_start3A_106 = arith.constant 0 : i32
          %dma_start3A_107 = tpu.memref_slice %arg2[%dma_start3A_105, %dma_start3A_106] : memref<10000x128xf32, #tpu.memory_space<hbm>> -> memref<10000x128xf32, #tpu.memory_space<hbm>>
          tpu.enqueue_indirect_dma source(%dma_start3A_107 : memref<10000x128xf32, #tpu.memory_space<hbm>>) target(%arg13 : memref<40x128xf32, #tpu.memory_space<vmem>>) offsets(%dma_start3A_104 : memref<40xi32, #tpu.memory_space<vmem>>) semaphore(%arg18 : memref<!tpu.dma_semaphore, #tpu.memory_space<semaphore_mem>>)
          %mul3A_108 = arith.constant 40 : i32
          %mul3A_109 = arith.muli %add3A_95, %mul3A_108 : i32
          %add3A_110 = arith.addi %mul3A_2, %mul3A_109 : i32
          %dma_start3A_111 = arith.constant 0 : i32
          %dma_start3A_112 = tpu.memref_slice %arg3[%add3A_110, %dma_start3A_111] : memref<320000x128xf32, #tpu.memory_space<hbm>> -> memref<40x128xf32, #tpu.memory_space<hbm>>
          %dma_start3A_113 = arith.constant 0 : i32
          %dma_start3A_114 = tpu.memref_slice %arg3[%add3A_110, %dma_start3A_113] : memref<320000x128xf32, #tpu.memory_space<hbm>> -> memref<40x128xf32, #tpu.memory_space<hbm>>
          tpu.enqueue_dma source(%dma_start3A_114 : memref<40x128xf32, #tpu.memory_space<hbm>>) target(%arg9 : memref<40x128xf32, #tpu.memory_space<vmem>>) target_semaphore(%arg20 : memref<!tpu.dma_semaphore, #tpu.memory_space<semaphore_mem>>)
        } else {
        }
        %mul3A_64 = arith.constant 40 : i32
        %mul3A_65 = arith.muli %add3A_47, %mul3A_64 : i32
        %dma_wait3A_66 = tpu.memref_slice %arg7[%mul3A_65] : memref<10000xi32, #tpu.memory_space<vmem>> -> memref<40xi32, #tpu.memory_space<vmem>>
        %dma_wait3A_67 = arith.constant 0 : i32
        %dma_wait3A_68 = arith.constant 0 : i32
        %dma_wait3A_69 = tpu.memref_slice %arg2[%dma_wait3A_67, %dma_wait3A_68] : memref<10000x128xf32, #tpu.memory_space<hbm>> -> memref<10000x128xf32, #tpu.memory_space<hbm>>
        tpu.wait_indirect_dma semaphore(%arg17 : memref<!tpu.dma_semaphore, #tpu.memory_space<semaphore_mem>>) src(%dma_wait3A_69 : memref<10000x128xf32, #tpu.memory_space<hbm>>) dst(%arg12 : memref<40x128xf32, #tpu.memory_space<vmem>>)
        %mul3A_70 = arith.constant 40 : i32
        %mul3A_71 = arith.muli %add3A_47, %mul3A_70 : i32
        %dma_wait3A_72 = tpu.memref_slice %arg8[%mul3A_71] : memref<10000xi32, #tpu.memory_space<vmem>> -> memref<40xi32, #tpu.memory_space<vmem>>
        %dma_wait3A_73 = arith.constant 0 : i32
        %dma_wait3A_74 = arith.constant 0 : i32
        %dma_wait3A_75 = tpu.memref_slice %arg2[%dma_wait3A_73, %dma_wait3A_74] : memref<10000x128xf32, #tpu.memory_space<hbm>> -> memref<10000x128xf32, #tpu.memory_space<hbm>>
        tpu.wait_indirect_dma semaphore(%arg19 : memref<!tpu.dma_semaphore, #tpu.memory_space<semaphore_mem>>) src(%dma_wait3A_75 : memref<10000x128xf32, #tpu.memory_space<hbm>>) dst(%arg14 : memref<40x128xf32, #tpu.memory_space<vmem>>)
        %mul3A_76 = arith.constant 40 : i32
        %mul3A_77 = arith.muli %add3A_47, %mul3A_76 : i32
        %add3A_78 = arith.addi %mul3A_2, %mul3A_77 : i32
        %dma_wait3A_79 = arith.constant 0 : i32
        %dma_wait3A_80 = tpu.memref_slice %arg3[%add3A_78, %dma_wait3A_79] : memref<320000x128xf32, #tpu.memory_space<hbm>> -> memref<40x128xf32, #tpu.memory_space<hbm>>
        %dma_wait3A_81 = arith.constant 0 : i32
        %dma_wait3A_82 = tpu.memref_slice %arg3[%add3A_78, %dma_wait3A_81] : memref<320000x128xf32, #tpu.memory_space<hbm>> -> memref<40x128xf32, #tpu.memory_space<hbm>>
        tpu.wait_dma2 semaphore(%arg21 : memref<!tpu.dma_semaphore, #tpu.memory_space<semaphore_mem>>) src(%dma_wait3A_82 : memref<40x128xf32, #tpu.memory_space<hbm>>) dst(%arg10 : memref<40x128xf32, #tpu.memory_space<vmem>>)
        %scan3A_83 = arith.constant 0 : i32
        %scan3A_84 = arith.constant 40 : i32
        %scan3A_85 = arith.addi %scan3A_83, %scan3A_84 : i32
        %scan3A_86 = arith.constant 1 : i32
        scf.for %scan3A_94 = %scan3A_83 to %scan3A_85 step %scan3A_86  : i32 {
          %mul3A_95 = arith.constant 1 : i32
          %mul3A_96 = arith.muli %scan3A_94, %mul3A_95 : i32
          %add3A_97 = arith.constant 0 : i32
          %add3A_98 = arith.addi %add3A_97, %mul3A_96 : i32
          %get3A = arith.index_cast %add3A_98 : i32 to index
          %get3A_99 = arith.constant 0 : index
          %get3A_100 = tpu.vector_load %arg10[%get3A, %get3A_99] {strides = array<i32>} : memref<40x128xf32, #tpu.memory_space<vmem>>, vector<1x16xf32>,
          %get3A_101 = vector.shape_cast %get3A_100 : vector<1x16xf32> to vector<16xf32>
          %get3A_102 = arith.index_cast %add3A_98 : i32 to index
          %get3A_103 = arith.constant 0 : index
          %get3A_104 = tpu.vector_load %arg12[%get3A_102, %get3A_103] {strides = array<i32>} : memref<40x128xf32, #tpu.memory_space<vmem>>, vector<1x16xf32>,
          %get3A_105 = vector.shape_cast %get3A_104 : vector<1x16xf32> to vector<16xf32>
          %add3A_106 = arith.addf %get3A_101, %get3A_105 : vector<16xf32>
          %get3A_107 = arith.index_cast %add3A_98 : i32 to index
          %get3A_108 = arith.constant 0 : index
          %get3A_109 = tpu.vector_load %arg14[%get3A_107, %get3A_108] {strides = array<i32>} : memref<40x128xf32, #tpu.memory_space<vmem>>, vector<1x16xf32>,
          %get3A_110 = vector.shape_cast %get3A_109 : vector<1x16xf32> to vector<16xf32>
          %add3A_111 = arith.addf %add3A_106, %get3A_110 : vector<16xf32>
          %max3A = arith.constant 0.000000e+00 : f32
          %max3A_112 = vector.broadcast %max3A : f32 to vector<16xf32>
          %max3A_113 = arith.maximumf %add3A_111, %max3A_112 : vector<16xf32>
          %swap3A = arith.index_cast %add3A_98 : i32 to index
          %swap3A_114 = arith.constant 0 : index
          %swap3A_115 = tpu.vector_load %arg10[%swap3A, %swap3A_114] {strides = array<i32>} : memref<40x128xf32, #tpu.memory_space<vmem>>, vector<1x16xf32>,
          %swap3A_116 = vector.shape_cast %swap3A_115 : vector<1x16xf32> to vector<16xf32>
          %swap3A_117 = vector.shape_cast %max3A_113 : vector<16xf32> to vector<1x16xf32>
          tpu.vector_store %arg10[%swap3A, %swap3A_114], %swap3A_117 {strides = array<i32>} : memref<40x128xf32, #tpu.memory_space<vmem>>, vector<1x16xf32>,
          %get3A_118 = arith.index_cast %add3A_98 : i32 to index
          %get3A_119 = arith.constant 16 : index
          %get3A_120 = tpu.vector_load %arg10[%get3A_118, %get3A_119] {strides = array<i32>} : memref<40x128xf32, #tpu.memory_space<vmem>>, vector<1x16xf32>,
          %get3A_121 = vector.shape_cast %get3A_120 : vector<1x16xf32> to vector<16xf32>
          %get3A_122 = arith.index_cast %add3A_98 : i32 to index
          %get3A_123 = arith.constant 16 : index
          %get3A_124 = tpu.vector_load %arg12[%get3A_122, %get3A_123] {strides = array<i32>} : memref<40x128xf32, #tpu.memory_space<vmem>>, vector<1x16xf32>,
          %get3A_125 = vector.shape_cast %get3A_124 : vector<1x16xf32> to vector<16xf32>
          %add3A_126 = arith.addf %get3A_121, %get3A_125 : vector<16xf32>
          %get3A_127 = arith.index_cast %add3A_98 : i32 to index
          %get3A_128 = arith.constant 16 : index
          %get3A_129 = tpu.vector_load %arg14[%get3A_127, %get3A_128] {strides = array<i32>} : memref<40x128xf32, #tpu.memory_space<vmem>>, vector<1x16xf32>,
          %get3A_130 = vector.shape_cast %get3A_129 : vector<1x16xf32> to vector<16xf32>
          %add3A_131 = arith.addf %add3A_126, %get3A_130 : vector<16xf32>
          %max3A_132 = arith.constant 0.000000e+00 : f32
          %max3A_133 = vector.broadcast %max3A_132 : f32 to vector<16xf32>
          %max3A_134 = arith.maximumf %add3A_131, %max3A_133 : vector<16xf32>
          %swap3A_135 = arith.index_cast %add3A_98 : i32 to index
          %swap3A_136 = arith.constant 16 : index
          %swap3A_137 = tpu.vector_load %arg10[%swap3A_135, %swap3A_136] {strides = array<i32>} : memref<40x128xf32, #tpu.memory_space<vmem>>, vector<1x16xf32>,
          %swap3A_138 = vector.shape_cast %swap3A_137 : vector<1x16xf32> to vector<16xf32>
          %swap3A_139 = vector.shape_cast %max3A_134 : vector<16xf32> to vector<1x16xf32>
          tpu.vector_store %arg10[%swap3A_135, %swap3A_136], %swap3A_139 {strides = array<i32>} : memref<40x128xf32, #tpu.memory_space<vmem>>, vector<1x16xf32>,
          %get3A_140 = arith.index_cast %add3A_98 : i32 to index
          %get3A_141 = arith.constant 32 : index
          %get3A_142 = tpu.vector_load %arg10[%get3A_140, %get3A_141] {strides = array<i32>} : memref<40x128xf32, #tpu.memory_space<vmem>>, vector<1x16xf32>,
          %get3A_143 = vector.shape_cast %get3A_142 : vector<1x16xf32> to vector<16xf32>
          %get3A_144 = arith.index_cast %add3A_98 : i32 to index
          %get3A_145 = arith.constant 32 : index
          %get3A_146 = tpu.vector_load %arg12[%get3A_144, %get3A_145] {strides = array<i32>} : memref<40x128xf32, #tpu.memory_space<vmem>>, vector<1x16xf32>,
          %get3A_147 = vector.shape_cast %get3A_146 : vector<1x16xf32> to vector<16xf32>
          %add3A_148 = arith.addf %get3A_143, %get3A_147 : vector<16xf32>
          %get3A_149 = arith.index_cast %add3A_98 : i32 to index
          %get3A_150 = arith.constant 32 : index
          %get3A_151 = tpu.vector_load %arg14[%get3A_149, %get3A_150] {strides = array<i32>} : memref<40x128xf32, #tpu.memory_space<vmem>>, vector<1x16xf32>,
          %get3A_152 = vector.shape_cast %get3A_151 : vector<1x16xf32> to vector<16xf32>
          %add3A_153 = arith.addf %add3A_148, %get3A_152 : vector<16xf32>
          %max3A_154 = arith.constant 0.000000e+00 : f32
          %max3A_155 = vector.broadcast %max3A_154 : f32 to vector<16xf32>
          %max3A_156 = arith.maximumf %add3A_153, %max3A_155 : vector<16xf32>
          %swap3A_157 = arith.index_cast %add3A_98 : i32 to index
          %swap3A_158 = arith.constant 32 : index
          %swap3A_159 = tpu.vector_load %arg10[%swap3A_157, %swap3A_158] {strides = array<i32>} : memref<40x128xf32, #tpu.memory_space<vmem>>, vector<1x16xf32>,
          %swap3A_160 = vector.shape_cast %swap3A_159 : vector<1x16xf32> to vector<16xf32>
          %swap3A_161 = vector.shape_cast %max3A_156 : vector<16xf32> to vector<1x16xf32>
          tpu.vector_store %arg10[%swap3A_157, %swap3A_158], %swap3A_161 {strides = array<i32>} : memref<40x128xf32, #tpu.memory_space<vmem>>, vector<1x16xf32>,
          %get3A_162 = arith.index_cast %add3A_98 : i32 to index
          %get3A_163 = arith.constant 48 : index
          %get3A_164 = tpu.vector_load %arg10[%get3A_162, %get3A_163] {strides = array<i32>} : memref<40x128xf32, #tpu.memory_space<vmem>>, vector<1x16xf32>,
          %get3A_165 = vector.shape_cast %get3A_164 : vector<1x16xf32> to vector<16xf32>
          %get3A_166 = arith.index_cast %add3A_98 : i32 to index
          %get3A_167 = arith.constant 48 : index
          %get3A_168 = tpu.vector_load %arg12[%get3A_166, %get3A_167] {strides = array<i32>} : memref<40x128xf32, #tpu.memory_space<vmem>>, vector<1x16xf32>,
          %get3A_169 = vector.shape_cast %get3A_168 : vector<1x16xf32> to vector<16xf32>
          %add3A_170 = arith.addf %get3A_165, %get3A_169 : vector<16xf32>
          %get3A_171 = arith.index_cast %add3A_98 : i32 to index
          %get3A_172 = arith.constant 48 : index
          %get3A_173 = tpu.vector_load %arg14[%get3A_171, %get3A_172] {strides = array<i32>} : memref<40x128xf32, #tpu.memory_space<vmem>>, vector<1x16xf32>,
          %get3A_174 = vector.shape_cast %get3A_173 : vector<1x16xf32> to vector<16xf32>
          %add3A_175 = arith.addf %add3A_170, %get3A_174 : vector<16xf32>
          %max3A_176 = arith.constant 0.000000e+00 : f32
          %max3A_177 = vector.broadcast %max3A_176 : f32 to vector<16xf32>
          %max3A_178 = arith.maximumf %add3A_175, %max3A_177 : vector<16xf32>
          %swap3A_179 = arith.index_cast %add3A_98 : i32 to index
          %swap3A_180 = arith.constant 48 : index
          %swap3A_181 = tpu.vector_load %arg10[%swap3A_179, %swap3A_180] {strides = array<i32>} : memref<40x128xf32, #tpu.memory_space<vmem>>, vector<1x16xf32>,
          %swap3A_182 = vector.shape_cast %swap3A_181 : vector<1x16xf32> to vector<16xf32>
          %swap3A_183 = vector.shape_cast %max3A_178 : vector<16xf32> to vector<1x16xf32>
          tpu.vector_store %arg10[%swap3A_179, %swap3A_180], %swap3A_183 {strides = array<i32>} : memref<40x128xf32, #tpu.memory_space<vmem>>, vector<1x16xf32>,
          %get3A_184 = arith.index_cast %add3A_98 : i32 to index
          %get3A_185 = arith.constant 64 : index
          %get3A_186 = tpu.vector_load %arg10[%get3A_184, %get3A_185] {strides = array<i32>} : memref<40x128xf32, #tpu.memory_space<vmem>>, vector<1x16xf32>,
          %get3A_187 = vector.shape_cast %get3A_186 : vector<1x16xf32> to vector<16xf32>
          %get3A_188 = arith.index_cast %add3A_98 : i32 to index
          %get3A_189 = arith.constant 64 : index
          %get3A_190 = tpu.vector_load %arg12[%get3A_188, %get3A_189] {strides = array<i32>} : memref<40x128xf32, #tpu.memory_space<vmem>>, vector<1x16xf32>,
          %get3A_191 = vector.shape_cast %get3A_190 : vector<1x16xf32> to vector<16xf32>
          %add3A_192 = arith.addf %get3A_187, %get3A_191 : vector<16xf32>
          %get3A_193 = arith.index_cast %add3A_98 : i32 to index
          %get3A_194 = arith.constant 64 : index
          %get3A_195 = tpu.vector_load %arg14[%get3A_193, %get3A_194] {strides = array<i32>} : memref<40x128xf32, #tpu.memory_space<vmem>>, vector<1x16xf32>,
          %get3A_196 = vector.shape_cast %get3A_195 : vector<1x16xf32> to vector<16xf32>
          %add3A_197 = arith.addf %add3A_192, %get3A_196 : vector<16xf32>
          %max3A_198 = arith.constant 0.000000e+00 : f32
          %max3A_199 = vector.broadcast %max3A_198 : f32 to vector<16xf32>
          %max3A_200 = arith.maximumf %add3A_197, %max3A_199 : vector<16xf32>
          %swap3A_201 = arith.index_cast %add3A_98 : i32 to index
          %swap3A_202 = arith.constant 64 : index
          %swap3A_203 = tpu.vector_load %arg10[%swap3A_201, %swap3A_202] {strides = array<i32>} : memref<40x128xf32, #tpu.memory_space<vmem>>, vector<1x16xf32>,
          %swap3A_204 = vector.shape_cast %swap3A_203 : vector<1x16xf32> to vector<16xf32>
          %swap3A_205 = vector.shape_cast %max3A_200 : vector<16xf32> to vector<1x16xf32>
          tpu.vector_store %arg10[%swap3A_201, %swap3A_202], %swap3A_205 {strides = array<i32>} : memref<40x128xf32, #tpu.memory_space<vmem>>, vector<1x16xf32>,
          %get3A_206 = arith.index_cast %add3A_98 : i32 to index
          %get3A_207 = arith.constant 80 : index
          %get3A_208 = tpu.vector_load %arg10[%get3A_206, %get3A_207] {strides = array<i32>} : memref<40x128xf32, #tpu.memory_space<vmem>>, vector<1x16xf32>,
          %get3A_209 = vector.shape_cast %get3A_208 : vector<1x16xf32> to vector<16xf32>
          %get3A_210 = arith.index_cast %add3A_98 : i32 to index
          %get3A_211 = arith.constant 80 : index
          %get3A_212 = tpu.vector_load %arg12[%get3A_210, %get3A_211] {strides = array<i32>} : memref<40x128xf32, #tpu.memory_space<vmem>>, vector<1x16xf32>,
          %get3A_213 = vector.shape_cast %get3A_212 : vector<1x16xf32> to vector<16xf32>
          %add3A_214 = arith.addf %get3A_209, %get3A_213 : vector<16xf32>
          %get3A_215 = arith.index_cast %add3A_98 : i32 to index
          %get3A_216 = arith.constant 80 : index
          %get3A_217 = tpu.vector_load %arg14[%get3A_215, %get3A_216] {strides = array<i32>} : memref<40x128xf32, #tpu.memory_space<vmem>>, vector<1x16xf32>,
          %get3A_218 = vector.shape_cast %get3A_217 : vector<1x16xf32> to vector<16xf32>
          %add3A_219 = arith.addf %add3A_214, %get3A_218 : vector<16xf32>
          %max3A_220 = arith.constant 0.000000e+00 : f32
          %max3A_221 = vector.broadcast %max3A_220 : f32 to vector<16xf32>
          %max3A_222 = arith.maximumf %add3A_219, %max3A_221 : vector<16xf32>
          %swap3A_223 = arith.index_cast %add3A_98 : i32 to index
          %swap3A_224 = arith.constant 80 : index
          %swap3A_225 = tpu.vector_load %arg10[%swap3A_223, %swap3A_224] {strides = array<i32>} : memref<40x128xf32, #tpu.memory_space<vmem>>, vector<1x16xf32>,
          %swap3A_226 = vector.shape_cast %swap3A_225 : vector<1x16xf32> to vector<16xf32>
          %swap3A_227 = vector.shape_cast %max3A_222 : vector<16xf32> to vector<1x16xf32>
          tpu.vector_store %arg10[%swap3A_223, %swap3A_224], %swap3A_227 {strides = array<i32>} : memref<40x128xf32, #tpu.memory_space<vmem>>, vector<1x16xf32>,
          %get3A_228 = arith.index_cast %add3A_98 : i32 to index
          %get3A_229 = arith.constant 96 : index
          %get3A_230 = tpu.vector_load %arg10[%get3A_228, %get3A_229] {strides = array<i32>} : memref<40x128xf32, #tpu.memory_space<vmem>>, vector<1x16xf32>,
          %get3A_231 = vector.shape_cast %get3A_230 : vector<1x16xf32> to vector<16xf32>
          %get3A_232 = arith.index_cast %add3A_98 : i32 to index
          %get3A_233 = arith.constant 96 : index
          %get3A_234 = tpu.vector_load %arg12[%get3A_232, %get3A_233] {strides = array<i32>} : memref<40x128xf32, #tpu.memory_space<vmem>>, vector<1x16xf32>,
          %get3A_235 = vector.shape_cast %get3A_234 : vector<1x16xf32> to vector<16xf32>
          %add3A_236 = arith.addf %get3A_231, %get3A_235 : vector<16xf32>
          %get3A_237 = arith.index_cast %add3A_98 : i32 to index
          %get3A_238 = arith.constant 96 : index
          %get3A_239 = tpu.vector_load %arg14[%get3A_237, %get3A_238] {strides = array<i32>} : memref<40x128xf32, #tpu.memory_space<vmem>>, vector<1x16xf32>,
          %get3A_240 = vector.shape_cast %get3A_239 : vector<1x16xf32> to vector<16xf32>
          %add3A_241 = arith.addf %add3A_236, %get3A_240 : vector<16xf32>
          %max3A_242 = arith.constant 0.000000e+00 : f32
          %max3A_243 = vector.broadcast %max3A_242 : f32 to vector<16xf32>
          %max3A_244 = arith.maximumf %add3A_241, %max3A_243 : vector<16xf32>
          %swap3A_245 = arith.index_cast %add3A_98 : i32 to index
          %swap3A_246 = arith.constant 96 : index
          %swap3A_247 = tpu.vector_load %arg10[%swap3A_245, %swap3A_246] {strides = array<i32>} : memref<40x128xf32, #tpu.memory_space<vmem>>, vector<1x16xf32>,
          %swap3A_248 = vector.shape_cast %swap3A_247 : vector<1x16xf32> to vector<16xf32>
          %swap3A_249 = vector.shape_cast %max3A_244 : vector<16xf32> to vector<1x16xf32>
          tpu.vector_store %arg10[%swap3A_245, %swap3A_246], %swap3A_249 {strides = array<i32>} : memref<40x128xf32, #tpu.memory_space<vmem>>, vector<1x16xf32>,
          %get3A_250 = arith.index_cast %add3A_98 : i32 to index
          %get3A_251 = arith.constant 112 : index
          %get3A_252 = tpu.vector_load %arg10[%get3A_250, %get3A_251] {strides = array<i32>} : memref<40x128xf32, #tpu.memory_space<vmem>>, vector<1x16xf32>,
          %get3A_253 = vector.shape_cast %get3A_252 : vector<1x16xf32> to vector<16xf32>
          %get3A_254 = arith.index_cast %add3A_98 : i32 to index
          %get3A_255 = arith.constant 112 : index
          %get3A_256 = tpu.vector_load %arg12[%get3A_254, %get3A_255] {strides = array<i32>} : memref<40x128xf32, #tpu.memory_space<vmem>>, vector<1x16xf32>,
          %get3A_257 = vector.shape_cast %get3A_256 : vector<1x16xf32> to vector<16xf32>
          %add3A_258 = arith.addf %get3A_253, %get3A_257 : vector<16xf32>
          %get3A_259 = arith.index_cast %add3A_98 : i32 to index
          %get3A_260 = arith.constant 112 : index
          %get3A_261 = tpu.vector_load %arg14[%get3A_259, %get3A_260] {strides = array<i32>} : memref<40x128xf32, #tpu.memory_space<vmem>>, vector<1x16xf32>,
          %get3A_262 = vector.shape_cast %get3A_261 : vector<1x16xf32> to vector<16xf32>
          %add3A_263 = arith.addf %add3A_258, %get3A_262 : vector<16xf32>
          %max3A_264 = arith.constant 0.000000e+00 : f32
          %max3A_265 = vector.broadcast %max3A_264 : f32 to vector<16xf32>
          %max3A_266 = arith.maximumf %add3A_263, %max3A_265 : vector<16xf32>
          %swap3A_267 = arith.index_cast %add3A_98 : i32 to index
          %swap3A_268 = arith.constant 112 : index
          %swap3A_269 = tpu.vector_load %arg10[%swap3A_267, %swap3A_268] {strides = array<i32>} : memref<40x128xf32, #tpu.memory_space<vmem>>, vector<1x16xf32>,
          %swap3A_270 = vector.shape_cast %swap3A_269 : vector<1x16xf32> to vector<16xf32>
          %swap3A_271 = vector.shape_cast %max3A_266 : vector<16xf32> to vector<1x16xf32>
          tpu.vector_store %arg10[%swap3A_267, %swap3A_268], %swap3A_271 {strides = array<i32>} : memref<40x128xf32, #tpu.memory_space<vmem>>, vector<1x16xf32>,
        }
        %scan3A_87 = arith.constant 40 : i32
        %mul3A_88 = arith.constant 40 : i32
        %mul3A_89 = arith.muli %add3A_47, %mul3A_88 : i32
        %dma_start3A_90 = tpu.memref_slice %arg8[%mul3A_89] : memref<10000xi32, #tpu.memory_space<vmem>> -> memref<40xi32, #tpu.memory_space<vmem>>
        %dma_start3A_91 = arith.constant 0 : i32
        %dma_start3A_92 = arith.constant 0 : i32
        %dma_start3A_93 = tpu.memref_slice %arg15[%dma_start3A_91, %dma_start3A_92] : memref<10000x128xf32, #tpu.memory_space<vmem_shared>> -> memref<10000x128xf32, #tpu.memory_space<vmem_shared>>
        tpu.enqueue_indirect_dma source(%arg10 : memref<40x128xf32, #tpu.memory_space<vmem>>) target(%dma_start3A_93 : memref<10000x128xf32, #tpu.memory_space<vmem_shared>>) offsets(%dma_start3A_90 : memref<40xi32, #tpu.memory_space<vmem>>) semaphore(%arg23 : memref<!tpu.dma_semaphore, #tpu.memory_space<semaphore_mem>>) {add = true}
      } else {
      }
    }
    %scan3A_23 = arith.constant 125 : i32
    %dma_wait3A = arith.constant 9960 : i32
    %dma_wait3A_24 = tpu.memref_slice %arg8[%dma_wait3A] : memref<10000xi32, #tpu.memory_space<vmem>> -> memref<40xi32, #tpu.memory_space<vmem>>
    %dma_wait3A_25 = arith.constant 0 : i32
    %dma_wait3A_26 = arith.constant 0 : i32
    %dma_wait3A_27 = tpu.memref_slice %arg15[%dma_wait3A_25, %dma_wait3A_26] : memref<10000x128xf32, #tpu.memory_space<vmem_shared>> -> memref<10000x128xf32, #tpu.memory_space<vmem_shared>>
    tpu.wait_indirect_dma semaphore(%arg23 : memref<!tpu.dma_semaphore, #tpu.memory_space<semaphore_mem>>) src(%arg10 : memref<40x128xf32, #tpu.memory_space<vmem>>) dst(%dma_wait3A_27 : memref<10000x128xf32, #tpu.memory_space<vmem_shared>>)
    %barrier3A_28 = arith.constant 0 : index
    tpu.barrier barrier_id(%barrier3A_28)
    %lt3A_29 = arith.constant 10 : i32
    %lt3A_30 = arith.cmpi slt, %arg1, %lt3A_29 : i32
    %convert_element_type3A_31 = arith.extui %lt3A_30 : i1 to i32
    %cond3A_32 = arith.constant 0 : i32
    %cond3A_33 = arith.cmpi ne, %convert_element_type3A_31, %cond3A_32 : i32
    scf.if %cond3A_33 {
      %mul3A_34 = arith.constant 1000 : i32
      %mul3A_35 = arith.muli %arg1, %mul3A_34 : i32
      %mul3A_36 = arith.constant 10000 : i32
      %mul3A_37 = arith.muli %arg0, %mul3A_36 : i32
      %mul3A_38 = arith.constant 1000 : i32
      %mul3A_39 = arith.muli %arg1, %mul3A_38 : i32
      %add3A_40 = arith.addi %mul3A_37, %mul3A_39 : i32
      "tpu.region"() ({
        %run_scoped3A = tpu.sem_alloc : memref<!tpu.dma_semaphore, #tpu.memory_space<semaphore_mem>>
        %dma_start3A_41 = arith.constant 0 : i32
        %dma_start3A_42 = tpu.memref_slice %arg6[%add3A_40, %dma_start3A_41] : memref<20000x128xf32, #tpu.memory_space<hbm>> -> memref<1000x128xf32, #tpu.memory_space<hbm>>
        %dma_start3A_43 = arith.constant 0 : i32
        %dma_start3A_44 = tpu.memref_slice %arg15[%mul3A_35, %dma_start3A_43] : memref<10000x128xf32, #tpu.memory_space<vmem_shared>> -> memref<1000x128xf32, #tpu.memory_space<vmem_shared>>
        tpu.enqueue_dma source(%dma_start3A_44 : memref<1000x128xf32, #tpu.memory_space<vmem_shared>>) target(%dma_start3A_42 : memref<1000x128xf32, #tpu.memory_space<hbm>>) target_semaphore(%run_scoped3A : memref<!tpu.dma_semaphore, #tpu.memory_space<semaphore_mem>>)
        %dma_wait3A_45 = arith.constant 0 : i32
        %dma_wait3A_46 = tpu.memref_slice %arg6[%add3A_40, %dma_wait3A_45] : memref<20000x128xf32, #tpu.memory_space<hbm>> -> memref<1000x128xf32, #tpu.memory_space<hbm>>
        %dma_wait3A_47 = arith.constant 0 : i32
        %dma_wait3A_48 = tpu.memref_slice %arg15[%mul3A_35, %dma_wait3A_47] : memref<10000x128xf32, #tpu.memory_space<vmem_shared>> -> memref<1000x128xf32, #tpu.memory_space<vmem_shared>>
        tpu.wait_dma2 semaphore(%run_scoped3A : memref<!tpu.dma_semaphore, #tpu.memory_space<semaphore_mem>>) src(%dma_wait3A_48 : memref<1000x128xf32, #tpu.memory_space<vmem_shared>>) dst(%dma_wait3A_46 : memref<1000x128xf32, #tpu.memory_space<hbm>>)
        tpu.yield
      }) : () -> ()
    } else {
    }
    return
  }
}

module attributes {stable_mosaic.version = 14 : i64} {
  func.func @_linear_body(%arg0: i32, %arg1: memref<2000x128xf32, #tpu.memory_space<vmem>>, %arg2: memref<128x128xf32, #tpu.memory_space<vmem>>, %arg3: memref<1x128xf32, #tpu.memory_space<vmem>>, %arg4: memref<2000x128xf32, #tpu.memory_space<vmem>>) attributes {dimension_semantics = [#tpu.dimension_semantics<arbitrary>], iteration_bounds = array<i64: 5>, scalar_prefetch = 0 : i64, scratch_operands = 0 : i64, tpu.core_type = #tpu.core_type<tc>, window_params = [{transform_indices = @transform_0, window_bounds = array<i64: 2000, 128>}, {pipeline_mode = #tpu.pipeline_mode<synchronous>, transform_indices = @transform_1, window_bounds = array<i64: 128, 128>}, {pipeline_mode = #tpu.pipeline_mode<synchronous>, transform_indices = @transform_2, window_bounds = array<i64: 1, 128>}, {transform_indices = @transform_3, window_bounds = array<i64: 2000, 128>}]} {
    %get3A = arith.constant 0 : index
    %get3A_0 = arith.constant 0 : index
    %get3A_1 = vector.load %arg1[%get3A, %get3A_0] : memref<2000x128xf32, #tpu.memory_space<vmem>>, vector<2000x128xf32>
    %get3A_2 = arith.constant 0 : index
    %get3A_3 = arith.constant 0 : index
    %get3A_4 = vector.load %arg2[%get3A_2, %get3A_3] : memref<128x128xf32, #tpu.memory_space<vmem>>, vector<128x128xf32>
    %dot_general3A = arith.constant dense<0.000000e+00> : vector<2000x128xf32>
    %dot_general3A_5 = tpu.matmul %get3A_1, %get3A_4, %dot_general3A {dimension_numbers = #tpu.dot_dimension_numbers<[1], [1], [0], [0], [0, 0, 1, 0], [], []>, transpose_lhs_hint = false} : vector<2000x128xf32>, vector<128x128xf32>, vector<2000x128xf32> -> vector<2000x128xf32>
    %get3A_6 = arith.constant 0 : index
    %get3A_7 = arith.constant 0 : index
    %get3A_8 = vector.load %arg3[%get3A_6, %get3A_7] : memref<1x128xf32, #tpu.memory_space<vmem>>, vector<1x128xf32>
    %add3A = vector.broadcast %get3A_8 : vector<1x128xf32> to vector<2000x128xf32>
    %add3A_9 = arith.addf %dot_general3A_5, %add3A : vector<2000x128xf32>
    %swap3A = arith.constant 0 : index
    %swap3A_10 = arith.constant 0 : index
    %swap3A_11 = vector.load %arg4[%swap3A, %swap3A_10] : memref<2000x128xf32, #tpu.memory_space<vmem>>, vector<2000x128xf32>
    tpu.vector_store %arg4[%swap3A, %swap3A_10], %add3A_9 {strides = array<i32>} : memref<2000x128xf32, #tpu.memory_space<vmem>>, vector<2000x128xf32>,
    return
  }
  func.func @transform_0(%arg0: i32) -> (i32, i32) {
    %c0_i32 = arith.constant 0 : i32
    %c0_i32_0 = arith.constant 0 : i32
    return %arg0, %c0_i32 : i32, i32
  }
  func.func @transform_1(%arg0: i32) -> (i32, i32) {
    %c0_i32 = arith.constant 0 : i32
    %c0_i32_0 = arith.constant 0 : i32
    %c0_i32_1 = arith.constant 0 : i32
    return %c0_i32, %c0_i32_0 : i32, i32
  }
  func.func @transform_2(%arg0: i32) -> (i32, i32) {
    %c0_i32 = arith.constant 0 : i32
    %c0_i32_0 = arith.constant 0 : i32
    %c0_i32_1 = arith.constant 0 : i32
    return %c0_i32, %c0_i32_0 : i32, i32
  }
  func.func @transform_3(%arg0: i32) -> (i32, i32) {
    %c0_i32 = arith.constant 0 : i32
    %c0_i32_0 = arith.constant 0 : i32
    return %arg0, %c0_i32 : i32, i32
  }
}

module attributes {stable_mosaic.version = 14 : i64} {
  func.func @_combine_body(%arg0: i32, %arg1: memref<2000x128xf32, #tpu.memory_space<vmem>>, %arg2: memref<2000x128xf32, #tpu.memory_space<vmem>>, %arg3: memref<2000x128xf32, #tpu.memory_space<vmem>>) attributes {dimension_semantics = [#tpu.dimension_semantics<arbitrary>], iteration_bounds = array<i64: 5>, scalar_prefetch = 0 : i64, scratch_operands = 0 : i64, tpu.core_type = #tpu.core_type<tc>, window_params = [{transform_indices = @transform_0, window_bounds = array<i64: 2000, 128>}, {transform_indices = @transform_1, window_bounds = array<i64: 2000, 128>}, {transform_indices = @transform_2, window_bounds = array<i64: 2000, 128>}]} {
    %get3A = arith.constant 0 : index
    %get3A_0 = arith.constant 0 : index
    %get3A_1 = vector.load %arg1[%get3A, %get3A_0] : memref<2000x128xf32, #tpu.memory_space<vmem>>, vector<2000x128xf32>
    %get3A_2 = arith.constant 0 : index
    %get3A_3 = arith.constant 0 : index
    %get3A_4 = vector.load %arg2[%get3A_2, %get3A_3] : memref<2000x128xf32, #tpu.memory_space<vmem>>, vector<2000x128xf32>
    %add3A = arith.addf %get3A_1, %get3A_4 : vector<2000x128xf32>
    %max3A = arith.constant 0.000000e+00 : f32
    %max3A_5 = vector.broadcast %max3A : f32 to vector<2000x128xf32>
    %max3A_6 = arith.maximumf %add3A, %max3A_5 : vector<2000x128xf32>
    %swap3A = arith.constant 0 : index
    %swap3A_7 = arith.constant 0 : index
    %swap3A_8 = vector.load %arg3[%swap3A, %swap3A_7] : memref<2000x128xf32, #tpu.memory_space<vmem>>, vector<2000x128xf32>
    tpu.vector_store %arg3[%swap3A, %swap3A_7], %max3A_6 {strides = array<i32>} : memref<2000x128xf32, #tpu.memory_space<vmem>>, vector<2000x128xf32>,
    return
  }
  func.func @transform_0(%arg0: i32) -> (i32, i32) {
    %c0_i32 = arith.constant 0 : i32
    %c0_i32_0 = arith.constant 0 : i32
    return %arg0, %c0_i32 : i32, i32
  }
  func.func @transform_1(%arg0: i32) -> (i32, i32) {
    %add3A = arith.constant 5 : i32
    %add3A_0 = arith.addi %arg0, %add3A : i32
    %c0_i32 = arith.constant 0 : i32
    %c0_i32_1 = arith.constant 0 : i32
    return %add3A_0, %c0_i32 : i32, i32
  }
  func.func @transform_2(%arg0: i32) -> (i32, i32) {
    %c0_i32 = arith.constant 0 : i32
    %c0_i32_0 = arith.constant 0 : i32
    return %arg0, %c0_i32 : i32, i32
  }
}

module attributes {stable_mosaic.version = 14 : i64} {
  func.func @_linear_body(%arg0: i32, %arg1: memref<2560x128xf32, #tpu.memory_space<vmem>>, %arg2: memref<128x128xf32, #tpu.memory_space<vmem>>, %arg3: memref<1x128xf32, #tpu.memory_space<vmem>>, %arg4: memref<2560x128xf32, #tpu.memory_space<vmem>>) attributes {dimension_semantics = [#tpu.dimension_semantics<arbitrary>], iteration_bounds = array<i64: 125>, scalar_prefetch = 0 : i64, scratch_operands = 0 : i64, tpu.core_type = #tpu.core_type<tc>, window_params = [{transform_indices = @transform_0, window_bounds = array<i64: 2560, 128>}, {pipeline_mode = #tpu.pipeline_mode<synchronous>, transform_indices = @transform_1, window_bounds = array<i64: 128, 128>}, {pipeline_mode = #tpu.pipeline_mode<synchronous>, transform_indices = @transform_2, window_bounds = array<i64: 1, 128>}, {transform_indices = @transform_3, window_bounds = array<i64: 2560, 128>}]} {
    %get3A = arith.constant 0 : index
    %get3A_0 = arith.constant 0 : index
    %get3A_1 = vector.load %arg1[%get3A, %get3A_0] : memref<2560x128xf32, #tpu.memory_space<vmem>>, vector<2560x128xf32>
    %get3A_2 = arith.constant 0 : index
    %get3A_3 = arith.constant 0 : index
    %get3A_4 = vector.load %arg2[%get3A_2, %get3A_3] : memref<128x128xf32, #tpu.memory_space<vmem>>, vector<128x128xf32>
    %dot_general3A = arith.constant dense<0.000000e+00> : vector<2560x128xf32>
    %dot_general3A_5 = tpu.matmul %get3A_1, %get3A_4, %dot_general3A {dimension_numbers = #tpu.dot_dimension_numbers<[1], [1], [0], [0], [0, 0, 1, 0], [], []>, transpose_lhs_hint = false} : vector<2560x128xf32>, vector<128x128xf32>, vector<2560x128xf32> -> vector<2560x128xf32>
    %get3A_6 = arith.constant 0 : index
    %get3A_7 = arith.constant 0 : index
    %get3A_8 = vector.load %arg3[%get3A_6, %get3A_7] : memref<1x128xf32, #tpu.memory_space<vmem>>, vector<1x128xf32>
    %add3A = vector.broadcast %get3A_8 : vector<1x128xf32> to vector<2560x128xf32>
    %add3A_9 = arith.addf %dot_general3A_5, %add3A : vector<2560x128xf32>
    %swap3A = arith.constant 0 : index
    %swap3A_10 = arith.constant 0 : index
    %swap3A_11 = vector.load %arg4[%swap3A, %swap3A_10] : memref<2560x128xf32, #tpu.memory_space<vmem>>, vector<2560x128xf32>
    tpu.vector_store %arg4[%swap3A, %swap3A_10], %add3A_9 {strides = array<i32>} : memref<2560x128xf32, #tpu.memory_space<vmem>>, vector<2560x128xf32>,
    return
  }
  func.func @transform_0(%arg0: i32) -> (i32, i32) {
    %c0_i32 = arith.constant 0 : i32
    %c0_i32_0 = arith.constant 0 : i32
    return %arg0, %c0_i32 : i32, i32
  }
  func.func @transform_1(%arg0: i32) -> (i32, i32) {
    %c0_i32 = arith.constant 0 : i32
    %c0_i32_0 = arith.constant 0 : i32
    %c0_i32_1 = arith.constant 0 : i32
    return %c0_i32, %c0_i32_0 : i32, i32
  }
  func.func @transform_2(%arg0: i32) -> (i32, i32) {
    %c0_i32 = arith.constant 0 : i32
    %c0_i32_0 = arith.constant 0 : i32
    %c0_i32_1 = arith.constant 0 : i32
    return %c0_i32, %c0_i32_0 : i32, i32
  }
  func.func @transform_3(%arg0: i32) -> (i32, i32) {
    %c0_i32 = arith.constant 0 : i32
    %c0_i32_0 = arith.constant 0 : i32
    return %arg0, %c0_i32 : i32, i32
  }
}

</mosaic_0001>

<sc_bundles>
// kernel: kernel.6.cloned.1.call-start
scs
__scs_entry_jumppad:
0x0: {  	(pc) =	sbr.rel $0x88, $3  }
0x1: {  	(tag) =	ssettag $0x0;
	lr =	simm.s32 $0x1  }
0x2: {  	[smem:$0x3F9A] =	sst lr;
	_ =	strace $0xD0000000  }
0x3: {  	_ = 	snop  }
0x4: {  	_ = 	snop  }
0x5: {  	_ = 	snop  }
0x6: {  	_ = 	snop  }
0x7: {  	_ = 	snop  }
__scs_overlays_trampoline_lowered:
0x8: {  	[smem:$0x3FA9] =	sst s0  }
0x9: {  	[smem:$0x3FAA] =	sst s1  }
0xa: {  	[smem:$0x3FAB] =	sst s2  }
0xb: {  	[smem:$0x3FAC] =	sst s3  }
0xc: {  	[smem:$0x3FAD] =	sst s4  }
0xd: {  	[smem:$0x3FAE] =	sst s5  }
0xe: {  	[smem:$0x3FAF] =	sst s6  }
0xf: {  	[smem:$0x3FB0] =	sst s7  }
0x10: {  	[smem:$0x3FB1] =	sst s8  }
0x11: {  	[smem:$0x3FB2] =	sst s9;
	s0 =	simm.s32 @!p0 $0x0  }
0x12: {  	s1 =	sld [smem:$0x3F98];
	s0 =	simm.s32 @p0 $0x1  }
0x13: {  	[smem:$0x3FB3] =	sst s0;
	s0 =	simm.s32 @!p1 $0x0  }
0x14: {  	s2 =	sld [smem:$0x3F97];
	s0 =	simm.s32 @p1 $0x1  }
0x15: {  	[smem:$0x3FB4] =	sst s0;
	s0 =	simm.s32 @!p2 $0x0  }
0x16: {  	s3 =	sld [smem:$0x3FDB];
	s0 =	simm.s32 @p2 $0x1  }
0x17: {  	s4 =	simm.s32 $0x1BF5;
	[smem:$0x3FB6] =	sst s0  }
0x18: {  	s0 =	sld [smem:$0x3F99];
	_ =	swait.ge [sflag:s4], $0x0  }
0x19: {  	s7 =	sld [smem:$0x3F9A]  }
0x1a: {  	s8 =	sadd.s32 $0xFFFFE003, lr  }
0x1b: {  	s9 =	sadd.s32 $0xFFFFFEF7, lr;
	s5 =	simm.s32 $0xFFFFFFFF;
	p2 =	slt.u32 s8, $0xFFFFF086  }
0x1c: {  	p1 =	slt.u32 s9, $0xF7A;
	s5 =	simm.s32 @!p2 $0x0  }
0x1d: {  	s5 =	simm.s32 @p1 $0x1;
	p0 =	seq.s32 s7, s2  }
0x1e: {  	s7 =	smul.u32 @!p0 $0xF7A, s2;
	p2 =	seq.s32 @!p0 s5, $0x0  }
0x1f: {  	s9 =	smul.u32 $0xF7A, s1;
	s8 =	simm.s32 @!p0 $0x1BF5;
	p2 =	por !p2, p0  }
0x20: {  	[sflag:s8] =	ssyncset.s32 @!p0 $0xFFFFF086;
	s6 =	sadd.s32 @!p0 s3, s7;
	s7 =	simm.s32 @!p0 $0x108  }
0x21: {  	s3 =	sadd.s32 s3, s9;
	s6 =	sadd.s32 @!p0 $0x88, s6;
	s7 =	simm.s32 @p2 $0x1082  }
0x22: {  	[simem:s7], [sflag:s8] =	dma.local @!p0 [hbm:s6], $0xF7A  }
0x23: {  	s9 =	sor.u32 $0xD0000000, s2;
	s6 =	simm.s32 $0x108;
	_ =	swait.ge @!p0 [sflag:s8], $0x0  }
0x24: {  	s3 =	sadd.s32 $0x88, s3;
	s6 =	simm.s32 @!p1 $0x1082;
	[sflag:s4] =	ssyncset.s32 $0xFFFFF086  }
0x25: {  	[simem:s6], [sflag:s4] =	dma.local [hbm:s3], $0xF7A  }
0x26: {  	[smem:$0x3F9A] =	sst s1;
	(tag) =	ssettag s2;
	_ =	strace s9  }
0x27: {  	s1 =	sld [smem:$0x3FAA]  }
0x28: {  	s2 =	sld [smem:$0x3FAB]  }
0x29: {  	s4 =	sld [smem:$0x3FAD]  }
0x2a: {  	p0 =	seq.s32 s5, $0x0;
	s5 =	sld [smem:$0x3FAE]  }
0x2b: {  	s6 =	sld [smem:$0x3FAF]  }
0x2c: {  	s7 =	sld [smem:$0x3FB0]  }
0x2d: {  	s3 =	simm.s32 $0x108;
	s8 =	sld [smem:$0x3FB1]  }
0x2e: {  	s3 =	simm.s32 @!p0 $0x1082;
	s9 =	sld [smem:$0x3FB2]  }
0x2f: {  	lr =	sadd.s32 s0, s3;
	s0 =	sld [smem:$0x3FA9]  }
0x30: {  	s3 =	sld [smem:$0x3FAC]  }
0x31: {  	[smem:$0x3FB5] =	sst s10  }
0x32: {  	s10 =	sld [smem:$0x3FB3];
	_ =	sdelay $0x3  }
0x33: {  	p0 =	seq.s32 s10, $0x1;
	s10 =	sld [smem:$0x3FB5];
	_ =	sdelay $0x3  }
0x34: {  	[smem:$0x3FB5] =	sst s10  }
0x35: {  	s10 =	sld [smem:$0x3FB4];
	_ =	sdelay $0x3  }
0x36: {  	p1 =	seq.s32 s10, $0x1;
	s10 =	sld [smem:$0x3FB5];
	_ =	sdelay $0x3  }
0x37: {  	[smem:$0x3FB5] =	sst s10  }
0x38: {  	s10 =	sld [smem:$0x3FB6]  }
0x39: {  	_ = 	snop;
	(pc) =	sbr.ind lr, $3  }
0x3a: {  	_ = 	snop  }
0x3b: {  	_ = 	snop  }
0x3c: {  	p2 =	seq.s32 s10, $0x1;
	s10 =	sld [smem:$0x3FB5]  }
0x3d: {  	_ =	shalt  }
0x3e: {  	_ =	shalt  }
0x3f: {  	_ =	shalt  }
0x40: {  	_ =	shalt  }
0x41: {  	_ =	shalt  }
0x42: {  	_ =	shalt  }
0x43: {  	_ =	shalt  }
0x44: {  	_ =	shalt  }
0x45: {  	_ =	shalt  }
0x46: {  	_ =	shalt  }
0x47: {  	_ =	shalt  }
0x48: {  	_ =	shalt  }
0x49: {  	_ =	shalt  }
0x4a: {  	_ =	shalt  }
0x4b: {  	_ =	shalt  }
0x4c: {  	_ =	shalt  }
0x4d: {  	_ =	shalt  }
0x4e: {  	_ =	shalt  }
0x4f: {  	_ =	shalt  }
0x50: {  	_ =	shalt  }
0x51: {  	_ =	shalt  }
0x52: {  	_ =	shalt  }
0x53: {  	_ =	shalt  }
0x54: {  	_ =	shalt  }
0x55: {  	_ =	shalt  }
0x56: {  	_ =	shalt  }
0x57: {  	_ =	shalt  }
0x58: {  	_ =	shalt  }
0x59: {  	_ =	shalt  }
0x5a: {  	_ =	shalt  }
0x5b: {  	_ =	shalt  }
0x5c: {  	_ =	shalt  }
0x5d: {  	_ =	shalt  }
0x5e: {  	_ =	shalt  }
0x5f: {  	_ =	shalt  }
0x60: {  	_ =	shalt  }
0x61: {  	_ =	shalt  }
0x62: {  	_ =	shalt  }
0x63: {  	_ =	shalt  }
0x64: {  	_ =	shalt  }
0x65: {  	_ =	shalt  }
0x66: {  	_ =	shalt  }
0x67: {  	_ =	shalt  }
0x68: {  	_ =	shalt  }
0x69: {  	_ =	shalt  }
0x6a: {  	_ =	shalt  }
0x6b: {  	_ =	shalt  }
0x6c: {  	_ =	shalt  }
0x6d: {  	_ =	shalt  }
0x6e: {  	_ =	shalt  }
0x6f: {  	_ =	shalt  }
0x70: {  	_ =	shalt  }
0x71: {  	_ =	shalt  }
0x72: {  	_ =	shalt  }
0x73: {  	_ =	shalt  }
0x74: {  	_ =	shalt  }
0x75: {  	_ =	shalt  }
0x76: {  	_ =	shalt  }
0x77: {  	_ =	shalt  }
0x78: {  	_ =	shalt  }
0x79: {  	_ =	shalt  }
0x7a: {  	_ =	shalt  }
0x7b: {  	_ =	shalt  }
0x7c: {  	_ =	shalt  }
0x7d: {  	_ =	shalt  }
0x7e: {  	_ =	shalt  }
0x7f: {  	_ =	shalt  }
0x80: {  	_ =	shalt  }
0x81: {  	_ =	shalt  }
0x82: {  	_ =	shalt  }
0x83: {  	_ =	shalt  }
0x84: {  	_ =	shalt  }
0x85: {  	_ =	shalt  }
0x86: {  	_ =	shalt  }
0x87: {  	_ =	shalt  }
.Lfunc_end0:
.L_simem_size_0:
called_computation_lowered:
.L_overlay_start_0:
0x88: {  	s2 =	sld [smem:$0x3FD9]  }
0x89: {  	s3 =	sld [smem:$0x3FFE];
	_ =	sdelay $0x1  }
0x8a: {  	s1 =	srdreg.scid  }
0x8b: {  	s0 =	sand.u32 $0x1, s1  }
0x8c: {  	s17 =	sshll.u32 s0, $0xA;
	s2 =	sadd.s32 s3, s2  }
0x8d: {  	s2 =	sadd.s32 s2, s17  }
0x8e: {  	[smem:$0x3FC1] =	sst s2  }
0x8f: {  	_ = 	snop  }
0x90: {  	s2 =	sld [smem:$0x3FD0];
	(tm) =	ssettm $0x1  }
0x91: {  	s18 =	sld [smem:$0x3FFB];
	_ =	sdelay $0x3  }
0x92: {  	_ =	strace s18  }
0x93: {  	s3 =	sld [smem:$0x3FFC];
	_ =	sdelay $0x3  }
0x94: {  	_ =	strace s3  }
0x95: {  	s3 =	sld [smem:$0x3FFD];
	_ =	sdelay $0x3  }
0x96: {  	_ =	strace s3  }
0x97: {  	_ =	strace $0x8FFFFFFF  }
0x98: {  	s19 =	sld [smem:$0x3FDB];
	_ =	sdelay $0x1  }
0x99: {  	s4 =	simm.s32 $_scs_section_size  }
0x9a: {  	s5 =	simm.s32 $_size__tile_overlayer_lowered;
	s6 =	simm.s32 $_tile_overlayer_lowered  }
0x9b: {  	s22 =	simm.s32 $0x1BFF;
	s21 =	sshll.u32 s6, $0x1;
	s3 =	sadd.s32 s4, s19  }
0x9c: {  	s7 =	simm.s32 $0x0;
	s20 =	sshll.u32 s5, $0x1;
	s5 =	sadd.s32 s21, s3  }
0x9d: {  	[timem:s7], [sflag:s22] =	dma.local [hbm:s5], s20  }
0x9e: {  	_ =	swait.ge [sflag:s22], s20  }
0x9f: {  	s4 =	ssub.s32 $0x0, s20;
	[sflag:s22] =	ssyncset.done $0x0  }
0xa0: {  	[sflag:s22] =	ssyncadd.s32 s4;
	_ =	sdelay $0x1  }
0xa1: {  	s23 =	simm.s32 $0x1B8B  }
0xa2: {  	_ =	swait.ge [sflag:s23], $0x1  }
0xa3: {  	[sflag:s23] =	ssyncset.done $0x0  }
0xa4: {  	s25 =	simm.s32 $0x1B8E;
	s24 =	sld [smem:$0x3FFE];
	[sflag:s23] =	ssyncadd.s32 $0xFFFFFFFF  }
0xa5: {  	s26 =	simm.s32 $execute0_lowered;
	[smem:$0x3FD2] =	sst s25  }
0xa6: {  	s5 =	sshll.u32 s26, $0x1;
	_ =	strace $0x80000046;
	[dreg:$0x1] =	wrdreg $0xFFFFFFFF  }
0xa7: {  	s28 =	simm.s32 $_size_execute0_lowered;
	s3 =	sadd.s32 s3, s5;
	[dreg:$0x0] =	wrdreg $0x0  }
0xa8: {  	s5 =	sshll.u32 s28, $0x1;
	[dreg:$0x2] =	wrdreg s3  }
0xa9: {  	[dreg:$0x3] =	wrdreg s5  }
0xaa: {  	[dreg:$0x4] =	wrdreg $0xC0  }
0xab: {  	_ =	task [dreg:s7], $0x5FFFF  }
0xac: {  	[dreg:$0x1] =	wrdreg $0xFFFFFFFF  }
0xad: {  	[dreg:$0x0] =	wrdreg $0x60  }
0xae: {  	[dreg:$0x2] =	wrdreg s2  }
0xaf: {  	[dreg:$0x3] =	wrdreg s24  }
0xb0: {  	[dreg:$0x4] =	wrdreg $0xC7000  }
0xb1: {  	[dreg:$0x5] =	wrdreg $0x9  }
0xb2: {  	_ =	task.clear_ibuf [dreg:s7], $0x6FFFF;
	_ =	strace $0x90000046  }
0xb3: {  	s29 =	simm.s32 $0x9;
	_ =	strace $0x80000048  }
0xb4: {  	_ =	swait.ge [sflag:s29], $0x1  }
0xb5: {  	[sflag:s29] =	ssyncadd.s32 $0xFFFFFFFF  }
0xb6: {  	_ =	strace $0x90000048  }
0xb7: {  	_ =	sfence  }
0xb8: {  	s30 =	sld [smem:$0x0];
	_ =	sdelay $0x2  }
0xb9: {  	s31 =	sshll.u32 s1, $0xD;
	s1 =	sshrl.u32 s1, $0x2  }
0xba: {  	s3 =	sand.u32 $0x4000, s31;
	s1 =	sadd.s32 s1, s30  }
0xbb: {  	s0 =	sor.u32 s3, s0;
	s1 =	sshll.u32 s1, $0x11  }
0xbc: {  	s0 =	sor.u32 s1, s0  }
0xbd: {  	s0 =	sadd.s32 $0x8F2B, s0  }
0xbe: {  	[sflag:s0] =	ssyncadd.remote.s32 $0x1  }
0xbf: {  	_ =	sfence.sel $0xFFFF  }
0xc0: {  	[dreg:$0x0] =	wrdreg $0xFFFFFFFF;
	(pc) =	sbr.abs _section_cstart, $3  }
0xc1: {  	[dreg:$0x1] =	wrdreg $0xFFFFFFFF  }
0xc2: {  	_ =	task.clear_ibuf [dreg:s7], $0x2FFFF;
	_ =	strace $0x9FFFFFFF  }
0xc3: {  	(tm) =	ssettm $0x7FFFFFFF  }
tec
execute0_lowered:
.L_overlay_start_1:
0x0: {  	(tag) =	ssettag $0x1  }
0x1: {  	s0 =	srdreg.scid  }
0x2: {  	s1 =	rddreg [dreg:$0x0];
	s13 =	stileid.u32  }
0x3: {  	s5 =	rddreg [dreg:$0x1];
	s16 =	smul.u32 $0x7D000, s13  }
0x4: {  	s3 =	rddreg [dreg:$0x2];
	s6 =	simm.s32 $0x0;
	s28 =	simm.s32 $0x7  }
0x5: {  	s29 =	simm.s32 $0x2;
	s30 =	simm.s32 $0x4;
	s10 =	sshrl.u32 s16, $0x2  }
0x6: {  	s0 =	sand.u32 $0x1, s0;
	[smem:$0x7FF] =	sst s6;
	s10 =	sadd.s32 s10, s3  }
0x7: {  	s9 =	smul.u32 $0x3E80, s13;
	s6 =	sadd.s32 $0x14600, s5;
	s20 =	sadd.s32 $0x1400, s10  }
0x8: {  	_ =	strace $0x80000047;
	s21 =	sadd.s32 $0x2800, s10;
	[dreg:$0x6] =	wrdreg s20  }
0x9: {  	s2 =	sshll.u32 s0, $0x4;
	s22 =	sadd.s32 $0x3C00, s10;
	[dreg:$0x7] =	wrdreg s21  }
0xa: {  	s7 =	smul.u32 $0x27100, s0;
	s23 =	sadd.s32 $0x5000, s10;
	[dreg:$0x8] =	wrdreg s22  }
0xb: {  	s0 =	ssub.s32 $0x2, s0;
	s24 =	sadd.s32 $0x6400, s10;
	[dreg:$0x9] =	wrdreg s23  }
0xc: {  	s2 =	sor.u32 s13, s2;
	s25 =	sadd.s32 $0x7800, s10;
	[dreg:$0xa] =	wrdreg s24  }
0xd: {  	s17 =	sshrl.u32 s0, $0x1;
	s26 =	sadd.s32 $0x8C00, s10;
	[dreg:$0xb] =	wrdreg s25  }
0xe: {  	s4 =	smul.u32 $0x2710, s2;
	s14 =	sadd.s32 $0xF000, s10;
	[dreg:$0xc] =	wrdreg s26  }
0xf: {  	s7 =	sadd.s32 s9, s7;
	s15 =	sadd.s32 $0x10400, s10;
	[dreg:$0x11] =	wrdreg s14  }
0x10: {  	s2 =	smul.u32 $0x27100, s2;
	s16 =	sadd.s32 $0x11800, s10;
	[dreg:$0x12] =	wrdreg s15  }
0x11: {  	s0 =	ssub.s32 s0, s17;
	s17 =	sadd.s32 $0x12C00, s10;
	[dreg:$0x13] =	wrdreg s16  }
0x12: {  	s9 =	sadd.s32 s6, s2;
	s2 =	sadd.s32 $0xA000, s10;
	[dreg:$0x14] =	wrdreg s17  }
0x13: {  	s31 =	simm.s32 $0x6;
	s20 =	sadd.s32 $0x16800, s10;
	[dreg:$0xd] =	wrdreg s2  }
0x14: {  	p0 =	sgt.u32 s13, $0x9;
	s21 =	sadd.s32 $0x17C00, s10;
	[dreg:$0x17] =	wrdreg s20  }
0x15: {  	s12 =	smax.u32 s0, $0x1;
	s22 =	sadd.s32 $0x19000, s10;
	[dreg:$0x18] =	wrdreg s21  }
0x16: {  	s8 =	sshrl.u32 s4, $0x3;
	s23 =	sadd.s32 $0x1A400, s10;
	[dreg:$0x19] =	wrdreg s22  }
0x17: {  	s24 =	sadd.s32 $0x1B800, s10;
	s25 =	sadd.s32 $0x1CC00, s10;
	[dreg:$0x1a] =	wrdreg s23  }
0x18: {  	s26 =	sadd.s32 $0x1E000, s10;
	s17 =	simm.s32 $0x4F00;
	[dreg:$0x1b] =	wrdreg s24  }
0x19: {  	s8 =	sadd.s32 s8, s5;
	s5 =	sadd.s32 s7, s5;
	[dreg:$0x1c] =	wrdreg s25  }
0x1a: {  	s7 =	sadd.s32 $0xC800, s10;
	[dreg:$0x1d] =	wrdreg s26;
	s20 =	simm.s32 $0x2780  }
0x1b: {  	s21 =	simm.s32 $0x28;
	s24 =	simm.s32 $0x8B00;
	s25 =	simm.s32 $0xB300  }
0x1c: {  	s22 =	simm.s32 $0x6300;
	s18 =	sadd.s32 $0xA800, s8;
	[dreg:$0xf] =	wrdreg s7  }
0x1d: {  	s26 =	simm.s32 $0x1;
	s19 =	sadd.s32 $0xA00, s8;
	[dreg:$0x4] =	wrdreg s18  }
0x1e: {  	s11 =	sadd.s32 $0x4F6600, s5;
	s5 =	sadd.s32 $0xB400, s10;
	[dreg:$0x5] =	wrdreg s19  }
0x1f: {  	s23 =	simm.s32 $0x3;
	s8 =	sadd.s32 $0xDC00, s10;
	[dreg:$0xe] =	wrdreg s5  }
0x20: {  	s2 =	simm.s32 $0x8;
	[dreg:$0x10] =	wrdreg s8;
	s18 =	sadd.s32 $0x14000, s10  }
0x21: {  	s19 =	sadd.s32 $0x15400, s10;
	s5 =	simm.s32 $0x0;
	[dreg:$0x15] =	wrdreg s18  }
0x22: {  	v0 =	vimm.f32 $0.0e+00;
	[dreg:$0x16] =	wrdreg s19;
	s18 =	simm.s32 $0x5;
	s19 =	simm.s32 $0x9  }
.LBB2_1:
.Ltmp0:
0x23: {  	(pc) =	sbr.rel @p0 .LBB2_5-.Ltmp0, $1  }
0x24: {  	_ =	sdelay $0x3  }
0x25: {  	s7 =	simm.s32 $0x0  }
0x26: {  	s0 =	sshra.s32 s7, $0x2;
	s13 =	sadd.s32 $0x200, s7  }
.LBB2_3:
0x27: {  	p1 =	sne.s32 s13, $0x4E00;
	[tilespmem:s0+$0x4F70] =	vst v0  }
0x28: {  	[tilespmem:s0+$0x4F00] =	vst v0  }
0x29: {  	[tilespmem:s0+$0x4F10] =	vst v0  }
.Ltmp1:
0x2a: {  	[tilespmem:s0+$0x4F20] =	vst v0;
	(pc) =	sbr.rel @p1 .LBB2_3-.Ltmp1, $4  }
0x2b: {  	[tilespmem:s0+$0x4F30] =	vst v0  }
0x2c: {  	[tilespmem:s0+$0x4F40] =	vst v0  }
0x2d: {  	[tilespmem:s0+$0x4F50] =	vst v0  }
0x2e: {  	[tilespmem:s0+$0x4F60] =	vst v0;
	s0 =	sshra.s32 s13, $0x2;
	s13 =	sadd.s32 $0x200, s13  }
0x2f: {  	[tilespmem:s0+$0x4F70] =	vst v0  }
0x30: {  	[tilespmem:s0+$0x4F00] =	vst v0  }
0x31: {  	[tilespmem:s0+$0x4F10] =	vst v0  }
0x32: {  	[tilespmem:s0+$0x4F20] =	vst v0  }
0x33: {  	[tilespmem:s0+$0x4F30] =	vst v0  }
0x34: {  	[tilespmem:s0+$0x4F40] =	vst v0  }
0x35: {  	[tilespmem:s0+$0x4F50] =	vst v0  }
0x36: {  	[tilespmem:s0+$0x4F60] =	vst v0  }
0x37: {  	[spmem:s10] =	stream.linear.scatter [tilespmem:s17], [sflag:$0x5], $0x1400, $0x38;
	[tilespmem:$0x1FF80] =	vst v63  }
0x38: {  	s7 =	rddreg [dreg:$0x6]  }
0x39: {  	[spmem:s7] =	stream.linear.scatter [tilespmem:s17], [sflag:$0x5], $0x1400, $0x38;
	[tilespmem:$0x1FF80] =	vst v63  }
0x3a: {  	s8 =	rddreg [dreg:$0x7]  }
0x3b: {  	[spmem:s8] =	stream.linear.scatter [tilespmem:s17], [sflag:$0x5], $0x1400, $0x38;
	[tilespmem:$0x1FF80] =	vst v63  }
0x3c: {  	s13 =	rddreg [dreg:$0x8]  }
0x3d: {  	[spmem:s13] =	stream.linear.scatter [tilespmem:s17], [sflag:$0x5], $0x1400, $0x38;
	[tilespmem:$0x1FF80] =	vst v63  }
0x3e: {  	s14 =	rddreg [dreg:$0x9]  }
0x3f: {  	[spmem:s14] =	stream.linear.scatter [tilespmem:s17], [sflag:$0x5], $0x1400, $0x38;
	[tilespmem:$0x1FF80] =	vst v63  }
0x40: {  	s15 =	rddreg [dreg:$0xa]  }
0x41: {  	[spmem:s15] =	stream.linear.scatter [tilespmem:s17], [sflag:$0x5], $0x1400, $0x38;
	[tilespmem:$0x1FF80] =	vst v63  }
0x42: {  	s16 =	rddreg [dreg:$0xb]  }
0x43: {  	[spmem:s16] =	stream.linear.scatter [tilespmem:s17], [sflag:$0x5], $0x1400, $0x38;
	[tilespmem:$0x1FF80] =	vst v63  }
0x44: {  	s7 =	rddreg [dreg:$0xc]  }
0x45: {  	[spmem:s7] =	stream.linear.scatter [tilespmem:s17], [sflag:$0x5], $0x1400, $0x38;
	[tilespmem:$0x1FF80] =	vst v63  }
0x46: {  	s8 =	rddreg [dreg:$0xd]  }
0x47: {  	[spmem:s8] =	stream.linear.scatter [tilespmem:s17], [sflag:$0x5], $0x1400, $0x38;
	[tilespmem:$0x1FF80] =	vst v63  }
0x48: {  	s13 =	rddreg [dreg:$0xe]  }
0x49: {  	[spmem:s13] =	stream.linear.scatter [tilespmem:s17], [sflag:$0x5], $0x1400, $0x38;
	[tilespmem:$0x1FF80] =	vst v63  }
0x4a: {  	s14 =	rddreg [dreg:$0xf]  }
0x4b: {  	[spmem:s14] =	stream.linear.scatter [tilespmem:s17], [sflag:$0x5], $0x1400, $0x38;
	[tilespmem:$0x1FF80] =	vst v63  }
0x4c: {  	s15 =	rddreg [dreg:$0x10]  }
0x4d: {  	[spmem:s15] =	stream.linear.scatter [tilespmem:s17], [sflag:$0x5], $0x1400, $0x38;
	[tilespmem:$0x1FF80] =	vst v63  }
0x4e: {  	s16 =	rddreg [dreg:$0x11]  }
0x4f: {  	[spmem:s16] =	stream.linear.scatter [tilespmem:s17], [sflag:$0x5], $0x1400, $0x38;
	[tilespmem:$0x1FF80] =	vst v63  }
0x50: {  	s7 =	rddreg [dreg:$0x12]  }
0x51: {  	[spmem:s7] =	stream.linear.scatter [tilespmem:s17], [sflag:$0x5], $0x1400, $0x38;
	[tilespmem:$0x1FF80] =	vst v63  }
0x52: {  	s8 =	rddreg [dreg:$0x13]  }
0x53: {  	[spmem:s8] =	stream.linear.scatter [tilespmem:s17], [sflag:$0x5], $0x1400, $0x38;
	[tilespmem:$0x1FF80] =	vst v63  }
0x54: {  	s13 =	rddreg [dreg:$0x14]  }
0x55: {  	[spmem:s13] =	stream.linear.scatter [tilespmem:s17], [sflag:$0x5], $0x1400, $0x38;
	[tilespmem:$0x1FF80] =	vst v63  }
0x56: {  	s14 =	rddreg [dreg:$0x15]  }
0x57: {  	[spmem:s14] =	stream.linear.scatter [tilespmem:s17], [sflag:$0x5], $0x1400, $0x38;
	[tilespmem:$0x1FF80] =	vst v63  }
0x58: {  	s15 =	rddreg [dreg:$0x16]  }
0x59: {  	[spmem:s15] =	stream.linear.scatter [tilespmem:s17], [sflag:$0x5], $0x1400, $0x38;
	[tilespmem:$0x1FF80] =	vst v63  }
0x5a: {  	s16 =	rddreg [dreg:$0x17]  }
0x5b: {  	[spmem:s16] =	stream.linear.scatter [tilespmem:s17], [sflag:$0x5], $0x1400, $0x38;
	[tilespmem:$0x1FF80] =	vst v63  }
0x5c: {  	s7 =	rddreg [dreg:$0x18]  }
0x5d: {  	[spmem:s7] =	stream.linear.scatter [tilespmem:s17], [sflag:$0x5], $0x1400, $0x38;
	[tilespmem:$0x1FF80] =	vst v63  }
0x5e: {  	s8 =	rddreg [dreg:$0x19]  }
0x5f: {  	[spmem:s8] =	stream.linear.scatter [tilespmem:s17], [sflag:$0x5], $0x1400, $0x38;
	[tilespmem:$0x1FF80] =	vst v63  }
0x60: {  	s13 =	rddreg [dreg:$0x1a]  }
0x61: {  	[spmem:s13] =	stream.linear.scatter [tilespmem:s17], [sflag:$0x5], $0x1400, $0x38;
	[tilespmem:$0x1FF80] =	vst v63  }
0x62: {  	s14 =	rddreg [dreg:$0x1b]  }
0x63: {  	[spmem:s14] =	stream.linear.scatter [tilespmem:s17], [sflag:$0x5], $0x1400, $0x38;
	[tilespmem:$0x1FF80] =	vst v63  }
0x64: {  	s15 =	rddreg [dreg:$0x1c]  }
0x65: {  	[spmem:s15] =	stream.linear.scatter [tilespmem:s17], [sflag:$0x5], $0x1400, $0x38;
	[tilespmem:$0x1FF80] =	vst v63  }
0x66: {  	s16 =	rddreg [dreg:$0x1d]  }
0x67: {  	[spmem:s16] =	stream.linear.scatter [tilespmem:s17], [sflag:$0x5], $0x1400, $0x38;
	[tilespmem:$0x1FF80] =	vst v63  }
0x68: {  	_ =	swait.ge [sflag:s18], $0x1400  }
0x69: {  	[sflag:s18] =	ssyncset.done $0x0  }
0x6a: {  	[sflag:s18] =	ssyncadd.s32 $0xFFFFEC00  }
0x6b: {  	_ =	swait.ge [sflag:s18], $0x1400  }
0x6c: {  	[sflag:s18] =	ssyncset.done $0x0  }
0x6d: {  	[sflag:s18] =	ssyncadd.s32 $0xFFFFEC00  }
0x6e: {  	_ =	swait.ge [sflag:s18], $0x1400  }
0x6f: {  	[sflag:s18] =	ssyncset.done $0x0  }
0x70: {  	[sflag:s18] =	ssyncadd.s32 $0xFFFFEC00  }
0x71: {  	_ =	swait.ge [sflag:s18], $0x1400  }
0x72: {  	[sflag:s18] =	ssyncset.done $0x0  }
0x73: {  	[sflag:s18] =	ssyncadd.s32 $0xFFFFEC00  }
0x74: {  	_ =	swait.ge [sflag:s18], $0x1400  }
0x75: {  	[sflag:s18] =	ssyncset.done $0x0  }
0x76: {  	[sflag:s18] =	ssyncadd.s32 $0xFFFFEC00  }
0x77: {  	_ =	swait.ge [sflag:s18], $0x1400  }
0x78: {  	[sflag:s18] =	ssyncset.done $0x0  }
0x79: {  	[sflag:s18] =	ssyncadd.s32 $0xFFFFEC00  }
0x7a: {  	_ =	swait.ge [sflag:s18], $0x1400  }
0x7b: {  	[sflag:s18] =	ssyncset.done $0x0  }
0x7c: {  	[sflag:s18] =	ssyncadd.s32 $0xFFFFEC00  }
0x7d: {  	_ =	swait.ge [sflag:s18], $0x1400  }
0x7e: {  	[sflag:s18] =	ssyncset.done $0x0  }
0x7f: {  	[sflag:s18] =	ssyncadd.s32 $0xFFFFEC00  }
0x80: {  	_ =	swait.ge [sflag:s18], $0x1400  }
0x81: {  	[sflag:s18] =	ssyncset.done $0x0  }
0x82: {  	[sflag:s18] =	ssyncadd.s32 $0xFFFFEC00  }
0x83: {  	_ =	swait.ge [sflag:s18], $0x1400  }
0x84: {  	[sflag:s18] =	ssyncset.done $0x0  }
0x85: {  	[sflag:s18] =	ssyncadd.s32 $0xFFFFEC00  }
0x86: {  	_ =	swait.ge [sflag:s18], $0x1400  }
0x87: {  	[sflag:s18] =	ssyncset.done $0x0  }
0x88: {  	[sflag:s18] =	ssyncadd.s32 $0xFFFFEC00  }
0x89: {  	_ =	swait.ge [sflag:s18], $0x1400  }
0x8a: {  	[sflag:s18] =	ssyncset.done $0x0  }
0x8b: {  	[sflag:s18] =	ssyncadd.s32 $0xFFFFEC00  }
0x8c: {  	_ =	swait.ge [sflag:s18], $0x1400  }
0x8d: {  	[sflag:s18] =	ssyncset.done $0x0  }
0x8e: {  	[sflag:s18] =	ssyncadd.s32 $0xFFFFEC00  }
0x8f: {  	_ =	swait.ge [sflag:s18], $0x1400  }
0x90: {  	[sflag:s18] =	ssyncset.done $0x0  }
0x91: {  	[sflag:s18] =	ssyncadd.s32 $0xFFFFEC00  }
0x92: {  	_ =	swait.ge [sflag:s18], $0x1400  }
0x93: {  	[sflag:s18] =	ssyncset.done $0x0  }
0x94: {  	[sflag:s18] =	ssyncadd.s32 $0xFFFFEC00  }
0x95: {  	_ =	swait.ge [sflag:s18], $0x1400  }
0x96: {  	[sflag:s18] =	ssyncset.done $0x0  }
0x97: {  	[sflag:s18] =	ssyncadd.s32 $0xFFFFEC00  }
0x98: {  	_ =	swait.ge [sflag:s18], $0x1400  }
0x99: {  	[sflag:s18] =	ssyncset.done $0x0  }
0x9a: {  	[sflag:s18] =	ssyncadd.s32 $0xFFFFEC00  }
0x9b: {  	_ =	swait.ge [sflag:s18], $0x1400  }
0x9c: {  	[sflag:s18] =	ssyncset.done $0x0  }
0x9d: {  	[sflag:s18] =	ssyncadd.s32 $0xFFFFEC00  }
0x9e: {  	_ =	swait.ge [sflag:s18], $0x1400  }
0x9f: {  	[sflag:s18] =	ssyncset.done $0x0  }
0xa0: {  	[sflag:s18] =	ssyncadd.s32 $0xFFFFEC00  }
0xa1: {  	_ =	swait.ge [sflag:s18], $0x1400  }
0xa2: {  	[sflag:s18] =	ssyncset.done $0x0  }
0xa3: {  	[sflag:s18] =	ssyncadd.s32 $0xFFFFEC00  }
0xa4: {  	_ =	swait.ge [sflag:s18], $0x1400  }
0xa5: {  	[sflag:s18] =	ssyncset.done $0x0  }
0xa6: {  	[sflag:s18] =	ssyncadd.s32 $0xFFFFEC00  }
0xa7: {  	_ =	swait.ge [sflag:s18], $0x1400  }
0xa8: {  	[sflag:s18] =	ssyncset.done $0x0  }
0xa9: {  	[sflag:s18] =	ssyncadd.s32 $0xFFFFEC00  }
0xaa: {  	_ =	swait.ge [sflag:s18], $0x1400  }
0xab: {  	[sflag:s18] =	ssyncset.done $0x0  }
0xac: {  	[sflag:s18] =	ssyncadd.s32 $0xFFFFEC00  }
0xad: {  	_ =	swait.ge [sflag:s18], $0x1400  }
0xae: {  	[sflag:s18] =	ssyncset.done $0x0  }
0xaf: {  	[sflag:s18] =	ssyncadd.s32 $0xFFFFEC00  }
0xb0: {  	_ =	swait.ge [sflag:s18], $0x1400  }
0xb1: {  	[sflag:s18] =	ssyncset.done $0x0  }
0xb2: {  	[sflag:s18] =	ssyncadd.s32 $0xFFFFEC00  }
.LBB2_5:
0xb3: {  	[bflag:$0x0] =	sbarrier.arrive $0xFFFF  }
0xb4: {  	s13 =	simm.s32 $0x0;
	s0 =	rddreg [dreg:$0x4]  }
0xb5: {  	[tilespmem:s13], [sflag:$0x9] =	stream.linear.gather [hbm4b:s0+s13], $0x2710, $0x38;
	[tilespmem:$0x1FF80] =	vst v63  }
0xb6: {  	_ =	swait.ge [sflag:s19], $0x2710  }
0xb7: {  	[sflag:s19] =	ssyncset.done $0x0  }
0xb8: {  	s14 =	rddreg [dreg:$0x5];
	[sflag:s19] =	ssyncadd.s32 $0xFFFFD8F0  }
0xb9: {  	[tilespmem:s20], [sflag:$0x9] =	stream.linear.gather [hbm4b:s14+s13], $0x2710, $0x38;
	[tilespmem:$0x1FF80] =	vst v63  }
0xba: {  	_ =	swait.ge [sflag:s19], $0x2710  }
0xbb: {  	[sflag:s19] =	ssyncset.done $0x0  }
0xbc: {  	s15 =	simm.s32 $0x7700;
	[sflag:s19] =	ssyncadd.s32 $0xFFFFD8F0  }
0xbd: {  	[tilespmem:s15], [sflag:$0x1] =	stream.indirect.gather [hbm4b:s1+s21], $0x80, s13, s21, $0xb8;
	[tilespmem:$0x1FF80] =	vst v63  }
0xbe: {  	s16 =	simm.s32 $0x9F00  }
0xbf: {  	[tilespmem:s16], [sflag:$0x3] =	stream.indirect.gather [hbm4b:s1+s21], $0x80, s20, s21, $0xb8;
	[tilespmem:$0x1FF80] =	vst v63  }
0xc0: {  	s14 =	simm.s32 $0x0  }
0xc1: {  	[tilespmem:s17], [sflag:$0x5] =	stream.linear.gather [hbm4b:s9+s13], $0x1400, $0x38;
	[tilespmem:$0x1FF80] =	vst v63  }
.LBB2_6:
0xc2: {  	p1 =	seq.s32 s14, $0x0  }
0xc3: {  	s15 =	smul.u32 $0x50, s14;
	s0 =	simm.s32 @!p1 $0x8  }
0xc4: {  	_ =	swait.ge @!p1 [sflag:s0], $0x1400  }
0xc5: {  	s8 =	sadd.s32 $0x28, s15;
	[sflag:s0] =	ssyncset.done @!p1 $0x0  }
0xc6: {  	[sflag:s0] =	ssyncadd.s32 @!p1 $0xFFFFEC00;
	s0 =	sadd.s32 s4, s8  }
0xc7: {  	[tilespmem:s24], [sflag:$0x2] =	stream.indirect.gather [hbm4b:s1+s21], $0x80, s8, s21, $0xb8;
	[tilespmem:$0x1FF80] =	vst v63  }
0xc8: {  	s16 =	sadd.s32 $0x27A8, s15;
	s0 =	sshll.u32 s0, $0x4  }
0xc9: {  	[tilespmem:s25], [sflag:$0x4] =	stream.indirect.gather [hbm4b:s1+s21], $0x80, s16, s21, $0xb8;
	[tilespmem:$0x1FF80] =	vst v63  }
0xca: {  	s0 =	sadd.s32 s6, s0  }
0xcb: {  	[tilespmem:s22], [sflag:$0x6] =	stream.linear.gather [hbm4b:s0+s13], $0x1400, $0x38;
	[tilespmem:$0x1FF80] =	vst v63  }
0xcc: {  	_ =	swait.ge [sflag:s26], $0x1400  }
0xcd: {  	[sflag:s26] =	ssyncset.done $0x0  }
0xce: {  	[sflag:s26] =	ssyncadd.s32 $0xFFFFEC00  }
0xcf: {  	_ =	swait.ge [sflag:s23], $0x1400  }
0xd0: {  	[sflag:s23] =	ssyncset.done $0x0  }
0xd1: {  	[sflag:s23] =	ssyncadd.s32 $0xFFFFEC00  }
0xd2: {  	_ =	swait.ge [sflag:s18], $0x1400  }
0xd3: {  	[sflag:s18] =	ssyncset.done $0x0  }
0xd4: {  	s0 =	simm.s32 $0x0;
	[sflag:s18] =	ssyncadd.s32 $0xFFFFEC00  }
0xd5: {  	v5 =	vld [tilespmem:s0+$0x9F00]  }
0xd6: {  	v6 =	vld [tilespmem:s0+$0x9F10]  }
0xd7: {  	v4 =	vld [tilespmem:s0+$0x9F20]  }
0xd8: {  	v3 =	vld [tilespmem:s0+$0x9F30]  }
0xd9: {  	v2 =	vld [tilespmem:s0+$0x9F40]  }
0xda: {  	v1 =	vld [tilespmem:s0+$0x9F50]  }
0xdb: {  	v13 =	vld [tilespmem:s0+$0x7700]  }
0xdc: {  	v18 =	vld [tilespmem:s0+$0x7710]  }
0xdd: {  	v12 =	vld [tilespmem:s0+$0x7720]  }
0xde: {  	v11 =	vld [tilespmem:s0+$0x7730]  }
0xdf: {  	v10 =	vld [tilespmem:s0+$0x7740]  }
0xe0: {  	v9 =	vld [tilespmem:s0+$0x7750]  }
0xe1: {  	v8 =	vld [tilespmem:s0+$0x7760]  }
0xe2: {  	v7 =	vld [tilespmem:s0+$0x7770]  }
0xe3: {  	v19 =	vld [tilespmem:s0+$0x4F00]  }
0xe4: {  	v20 =	vld [tilespmem:s0+$0x4F10]  }
0xe5: {  	v17 =	vld [tilespmem:s0+$0x4F20]  }
0xe6: {  	v16 =	vld [tilespmem:s0+$0x4F30]  }
0xe7: {  	v15 =	vld [tilespmem:s0+$0x4F40]  }
0xe8: {  	v14 =	vld [tilespmem:s0+$0x4F50];
	v19 =	vadd.f32 v13, v19  }
0xe9: {  	s16 =	simm.s32 $0x200;
	v18 =	vadd.f32 v18, v20;
	v13 =	vld [tilespmem:s0+$0x4F60]  }
.LBB2_7:
0xea: {  	p1 =	sne.s32 s16, $0x4E00;
	v5 =	vadd.f32 v5, v19;
	v12 =	vadd.f32 v12, v17;
	v17 =	vld [tilespmem:s0+$0x4F70]  }
0xeb: {  	v6 =	vadd.f32 v6, v18;
	v11 =	vadd.f32 v11, v16;
	v16 =	vld [tilespmem:s0+$0x9F60]  }
0xec: {  	s7 =	sshra.s32 s16, $0x2;
	v18 =	vmax.f32 v5, $0.0e+00;
	v4 =	vadd.f32 v4, v12;
	v10 =	vadd.f32 v10, v15;
	v12 =	vld [tilespmem:s0+$0x9F70]  }
0xed: {  	v5 =	vld [tilespmem:s7+$0x9F00];
	[tilespmem:s0+$0x4F00] =	vst v18;
	v15 =	vmax.f32 v6, $0.0e+00;
	v3 =	vadd.f32 v3, v11;
	v9 =	vadd.f32 v9, v14  }
0xee: {  	v6 =	vld [tilespmem:s7+$0x9F10];
	[tilespmem:s0+$0x4F10] =	vst v15;
	v11 =	vmax.f32 v4, $0.0e+00;
	v2 =	vadd.f32 v2, v10;
	v8 =	vadd.f32 v8, v13  }
0xef: {  	v4 =	vld [tilespmem:s7+$0x9F20];
	[tilespmem:s0+$0x4F20] =	vst v11;
	v10 =	vmax.f32 v3, $0.0e+00;
	v1 =	vadd.f32 v1, v9;
	v7 =	vadd.f32 v7, v17  }
0xf0: {  	v3 =	vld [tilespmem:s7+$0x9F30];
	[tilespmem:s0+$0x4F30] =	vst v10;
	v9 =	vmax.f32 v2, $0.0e+00;
	v8 =	vadd.f32 v16, v8  }
0xf1: {  	v2 =	vld [tilespmem:s7+$0x9F40];
	[tilespmem:s0+$0x4F40] =	vst v9;
	v9 =	vmax.f32 v1, $0.0e+00;
	v7 =	vadd.f32 v12, v7  }
0xf2: {  	v1 =	vld [tilespmem:s7+$0x9F50];
	[tilespmem:s0+$0x4F50] =	vst v9;
	v8 =	vmax.f32 v8, $0.0e+00  }
0xf3: {  	v13 =	vld [tilespmem:s7+$0x7700];
	[tilespmem:s0+$0x4F60] =	vst v8;
	v7 =	vmax.f32 v7, $0.0e+00  }
0xf4: {  	v18 =	vld [tilespmem:s7+$0x7710];
	[tilespmem:s0+$0x4F70] =	vst v7;
	s0 =	smov.u32 s7  }
0xf5: {  	v12 =	vld [tilespmem:s0+$0x7720]  }
0xf6: {  	v11 =	vld [tilespmem:s0+$0x7730]  }
0xf7: {  	v10 =	vld [tilespmem:s0+$0x7740]  }
0xf8: {  	v9 =	vld [tilespmem:s0+$0x7750]  }
0xf9: {  	v8 =	vld [tilespmem:s0+$0x7760]  }
0xfa: {  	v7 =	vld [tilespmem:s0+$0x7770]  }
0xfb: {  	v14 =	vld [tilespmem:s0+$0x4F00]  }
0xfc: {  	v20 =	vld [tilespmem:s0+$0x4F10]  }
.Ltmp2:
0xfd: {  	v17 =	vld [tilespmem:s0+$0x4F20];
	(pc) =	sbr.rel @p1 .LBB2_7-.Ltmp2, $4  }
0xfe: {  	v16 =	vld [tilespmem:s0+$0x4F30]  }
0xff: {  	v15 =	vld [tilespmem:s0+$0x4F40]  }
0x100: {  	v19 =	vadd.f32 v13, v14;
	v14 =	vld [tilespmem:s0+$0x4F50]  }
0x101: {  	s16 =	sadd.s32 $0x200, s16;
	v18 =	vadd.f32 v18, v20;
	v13 =	vld [tilespmem:s0+$0x4F60]  }
0x102: {  	v5 =	vadd.f32 v5, v19;
	v12 =	vadd.f32 v12, v17;
	v17 =	vld [tilespmem:s0+$0x4F70]  }
0x103: {  	v6 =	vadd.f32 v6, v18;
	v11 =	vadd.f32 v11, v16;
	v16 =	vld [tilespmem:s0+$0x9F60]  }
0x104: {  	v5 =	vmax.f32 v5, $0.0e+00;
	v4 =	vadd.f32 v4, v12;
	v10 =	vadd.f32 v10, v15;
	v12 =	vld [tilespmem:s0+$0x9F70]  }
0x105: {  	[tilespmem:s0+$0x4F00] =	vst v5;
	v5 =	vmax.f32 v6, $0.0e+00;
	v3 =	vadd.f32 v3, v11;
	v6 =	vadd.f32 v9, v14  }
0x106: {  	[tilespmem:s0+$0x4F10] =	vst v5;
	v4 =	vmax.f32 v4, $0.0e+00;
	v2 =	vadd.f32 v2, v10;
	v5 =	vadd.f32 v8, v13  }
0x107: {  	[tilespmem:s0+$0x4F20] =	vst v4;
	v3 =	vmax.f32 v3, $0.0e+00;
	v1 =	vadd.f32 v1, v6;
	v4 =	vadd.f32 v7, v17  }
0x108: {  	[tilespmem:s0+$0x4F30] =	vst v3;
	v2 =	vmax.f32 v2, $0.0e+00;
	v3 =	vadd.f32 v16, v5  }
0x109: {  	s7 =	smul.u32 $0x140, s14;
	[tilespmem:s0+$0x4F40] =	vst v2;
	v1 =	vmax.f32 v1, $0.0e+00;
	v2 =	vadd.f32 v12, v4  }
0x10a: {  	[tilespmem:s0+$0x4F50] =	vst v1;
	v1 =	vmax.f32 v3, $0.0e+00  }
0x10b: {  	s16 =	sshra.s32 s7, $0x2;
	[tilespmem:s0+$0x4F60] =	vst v1;
	v1 =	vmax.f32 v2, $0.0e+00  }
0x10c: {  	s8 =	sadd.s32 $0x2780, s16;
	[tilespmem:s0+$0x4F70] =	vst v1  }
0x10d: {  	[spmem:s3] =	stream.indirect.scatter.add.f32 [tilespmem:s17], [sflag:$0x7], $0x80, s8, s21, $0xb8;
	[tilespmem:$0x1FF80] =	vst v63  }
0x10e: {  	p1 =	seq.s32 s14, $0x7C;
	_ =	swait.ge [sflag:s28], $0x1400  }
0x10f: {  	s7 =	simm.s32 @!p1 $0x28;
	[sflag:s28] =	ssyncset.done $0x0  }
0x110: {  	s0 =	sadd.s32 @!p1 $0x50, s15;
	s8 =	simm.s32 @!p1 $0x7700;
	[sflag:s28] =	ssyncadd.s32 $0xFFFFEC00  }
0x111: {  	[tilespmem:s8], [sflag:$0x1] =	stream.indirect.gather @!p1 [hbm4b:s1+s7], $0x80, s0, s7, $0xb8;
	[tilespmem:$0x1FF80] =	vst v63  }
0x112: {  	s0 =	sadd.s32 @!p1 s4, s0  }
0x113: {  	s8 =	sadd.s32 @!p1 $0x27D0, s15;
	s15 =	simm.s32 @!p1 $0x9F00;
	s0 =	sshll.u32 @!p1 s0, $0x4  }
0x114: {  	[tilespmem:s15], [sflag:$0x3] =	stream.indirect.gather @!p1 [hbm4b:s1+s7], $0x80, s8, s7, $0xb8;
	[tilespmem:$0x1FF80] =	vst v63  }
0x115: {  	s0 =	sadd.s32 @!p1 s6, s0;
	s7 =	simm.s32 @!p1 $0x0;
	s8 =	simm.s32 @!p1 $0x4F00  }
0x116: {  	[tilespmem:s8], [sflag:$0x5] =	stream.linear.gather @!p1 [hbm4b:s0+s7], $0x1400, $0x38;
	[tilespmem:$0x1FF80] =	vst v63  }
0x117: {  	_ =	swait.ge [sflag:s29], $0x1400  }
0x118: {  	[sflag:s29] =	ssyncset.done $0x0  }
0x119: {  	[sflag:s29] =	ssyncadd.s32 $0xFFFFEC00  }
0x11a: {  	_ =	swait.ge [sflag:s30], $0x1400  }
0x11b: {  	[sflag:s30] =	ssyncset.done $0x0  }
0x11c: {  	[sflag:s30] =	ssyncadd.s32 $0xFFFFEC00  }
0x11d: {  	_ =	swait.ge [sflag:s31], $0x1400  }
0x11e: {  	[sflag:s31] =	ssyncset.done $0x0  }
0x11f: {  	s0 =	simm.s32 $0x0;
	[sflag:s31] =	ssyncadd.s32 $0xFFFFEC00  }
0x120: {  	v5 =	vld [tilespmem:s0+$0xB300]  }
0x121: {  	v6 =	vld [tilespmem:s0+$0xB310]  }
0x122: {  	v4 =	vld [tilespmem:s0+$0xB320]  }
0x123: {  	v3 =	vld [tilespmem:s0+$0xB330]  }
0x124: {  	v2 =	vld [tilespmem:s0+$0xB340]  }
0x125: {  	v1 =	vld [tilespmem:s0+$0xB350]  }
0x126: {  	v13 =	vld [tilespmem:s0+$0x8B00]  }
0x127: {  	v18 =	vld [tilespmem:s0+$0x8B10]  }
0x128: {  	v12 =	vld [tilespmem:s0+$0x8B20]  }
0x129: {  	v11 =	vld [tilespmem:s0+$0x8B30]  }
0x12a: {  	v10 =	vld [tilespmem:s0+$0x8B40]  }
0x12b: {  	v9 =	vld [tilespmem:s0+$0x8B50]  }
0x12c: {  	v8 =	vld [tilespmem:s0+$0x8B60]  }
0x12d: {  	v7 =	vld [tilespmem:s0+$0x8B70]  }
0x12e: {  	v19 =	vld [tilespmem:s0+$0x6300]  }
0x12f: {  	v20 =	vld [tilespmem:s0+$0x6310]  }
0x130: {  	v17 =	vld [tilespmem:s0+$0x6320]  }
0x131: {  	v16 =	vld [tilespmem:s0+$0x6330]  }
0x132: {  	v15 =	vld [tilespmem:s0+$0x6340]  }
0x133: {  	v14 =	vld [tilespmem:s0+$0x6350];
	v19 =	vadd.f32 v13, v19  }
0x134: {  	s15 =	simm.s32 $0x200;
	v18 =	vadd.f32 v18, v20;
	v13 =	vld [tilespmem:s0+$0x6360]  }
.LBB2_9:
0x135: {  	p1 =	sne.s32 s15, $0x4E00;
	v5 =	vadd.f32 v5, v19;
	v12 =	vadd.f32 v12, v17;
	v17 =	vld [tilespmem:s0+$0x6370]  }
0x136: {  	v6 =	vadd.f32 v6, v18;
	v11 =	vadd.f32 v11, v16;
	v16 =	vld [tilespmem:s0+$0xB360]  }
0x137: {  	s7 =	sshra.s32 s15, $0x2;
	v18 =	vmax.f32 v5, $0.0e+00;
	v4 =	vadd.f32 v4, v12;
	v10 =	vadd.f32 v10, v15;
	v12 =	vld [tilespmem:s0+$0xB370]  }
0x138: {  	v5 =	vld [tilespmem:s7+$0xB300];
	[tilespmem:s0+$0x6300] =	vst v18;
	v15 =	vmax.f32 v6, $0.0e+00;
	v3 =	vadd.f32 v3, v11;
	v9 =	vadd.f32 v9, v14  }
0x139: {  	v6 =	vld [tilespmem:s7+$0xB310];
	[tilespmem:s0+$0x6310] =	vst v15;
	v11 =	vmax.f32 v4, $0.0e+00;
	v2 =	vadd.f32 v2, v10;
	v8 =	vadd.f32 v8, v13  }
0x13a: {  	v4 =	vld [tilespmem:s7+$0xB320];
	[tilespmem:s0+$0x6320] =	vst v11;
	v10 =	vmax.f32 v3, $0.0e+00;
	v1 =	vadd.f32 v1, v9;
	v7 =	vadd.f32 v7, v17  }
0x13b: {  	v3 =	vld [tilespmem:s7+$0xB330];
	[tilespmem:s0+$0x6330] =	vst v10;
	v9 =	vmax.f32 v2, $0.0e+00;
	v8 =	vadd.f32 v16, v8  }
0x13c: {  	v2 =	vld [tilespmem:s7+$0xB340];
	[tilespmem:s0+$0x6340] =	vst v9;
	v9 =	vmax.f32 v1, $0.0e+00;
	v7 =	vadd.f32 v12, v7  }
0x13d: {  	v1 =	vld [tilespmem:s7+$0xB350];
	[tilespmem:s0+$0x6350] =	vst v9;
	v8 =	vmax.f32 v8, $0.0e+00  }
0x13e: {  	v13 =	vld [tilespmem:s7+$0x8B00];
	[tilespmem:s0+$0x6360] =	vst v8;
	v7 =	vmax.f32 v7, $0.0e+00  }
0x13f: {  	v18 =	vld [tilespmem:s7+$0x8B10];
	[tilespmem:s0+$0x6370] =	vst v7;
	s0 =	smov.u32 s7  }
0x140: {  	v12 =	vld [tilespmem:s0+$0x8B20]  }
0x141: {  	v11 =	vld [tilespmem:s0+$0x8B30]  }
0x142: {  	v10 =	vld [tilespmem:s0+$0x8B40]  }
0x143: {  	v9 =	vld [tilespmem:s0+$0x8B50]  }
0x144: {  	v8 =	vld [tilespmem:s0+$0x8B60]  }
0x145: {  	v7 =	vld [tilespmem:s0+$0x8B70]  }
0x146: {  	v14 =	vld [tilespmem:s0+$0x6300]  }
0x147: {  	v20 =	vld [tilespmem:s0+$0x6310]  }
.Ltmp3:
0x148: {  	v17 =	vld [tilespmem:s0+$0x6320];
	(pc) =	sbr.rel @p1 .LBB2_9-.Ltmp3, $4  }
0x149: {  	v16 =	vld [tilespmem:s0+$0x6330]  }
0x14a: {  	v15 =	vld [tilespmem:s0+$0x6340]  }
0x14b: {  	v19 =	vadd.f32 v13, v14;
	v14 =	vld [tilespmem:s0+$0x6350]  }
0x14c: {  	s15 =	sadd.s32 $0x200, s15;
	v18 =	vadd.f32 v18, v20;
	v13 =	vld [tilespmem:s0+$0x6360]  }
0x14d: {  	v5 =	vadd.f32 v5, v19;
	v12 =	vadd.f32 v12, v17;
	v57 =	vld [tilespmem:s0+$0x6370]  }
0x14e: {  	v58 =	vld [tilespmem:s0+$0xB360];
	v6 =	vadd.f32 v6, v18;
	v11 =	vadd.f32 v11, v16  }
0x14f: {  	v59 =	vld [tilespmem:s0+$0xB370];
	v5 =	vmax.f32 v5, $0.0e+00;
	v4 =	vadd.f32 v4, v12;
	v10 =	vadd.f32 v10, v15  }
0x150: {  	[tilespmem:s0+$0x6300] =	vst v5;
	v60 =	vmax.f32 v6, $0.0e+00;
	v3 =	vadd.f32 v3, v11;
	v61 =	vadd.f32 v9, v14  }
0x151: {  	[tilespmem:s0+$0x6310] =	vst v60;
	v4 =	vmax.f32 v4, $0.0e+00;
	v2 =	vadd.f32 v2, v10;
	v62 =	vadd.f32 v8, v13  }
0x152: {  	s14 =	sadd.s32 $0x1, s14;
	[tilespmem:s0+$0x6320] =	vst v4;
	v3 =	vmax.f32 v3, $0.0e+00;
	v1 =	vadd.f32 v1, v61;
	v63 =	vadd.f32 v7, v57  }
0x153: {  	p1 =	sne.s32 s14, $0x7D;
	[tilespmem:s0+$0x6330] =	vst v3;
	v2 =	vmax.f32 v2, $0.0e+00;
	v3 =	vadd.f32 v58, v62  }
.Ltmp4:
0x154: {  	[tilespmem:s0+$0x6340] =	vst v2;
	v1 =	vmax.f32 v1, $0.0e+00;
	v2 =	vadd.f32 v59, v63;
	(pc) =	sbr.rel @p1 .LBB2_6-.Ltmp4, $4  }
0x155: {  	[tilespmem:s0+$0x6350] =	vst v1;
	v1 =	vmax.f32 v3, $0.0e+00  }
0x156: {  	[tilespmem:s0+$0x6360] =	vst v1;
	v1 =	vmax.f32 v2, $0.0e+00  }
0x157: {  	s16 =	sadd.s32 $0x27A8, s16;
	[tilespmem:s0+$0x6370] =	vst v1  }
0x158: {  	[spmem:s3] =	stream.indirect.scatter.add.f32 [tilespmem:s22], [sflag:$0x8], $0x80, s16, s21, $0xb8;
	[tilespmem:$0x1FF80] =	vst v63  }
0x159: {  	_ =	swait.ge [sflag:s2], $0x1400  }
0x15a: {  	s0 =	stileid.u32;
	s7 =	sshrl.u32 @!p0 s10, $0x3;
	[sflag:s2] =	ssyncset.done $0x0  }
0x15b: {  	s5 =	sadd.s32 $0x1, s5;
	s0 =	sshll.u32 @!p0 s0, $0x6;
	[sflag:s2] =	ssyncadd.s32 $0xFFFFEC00  }
0x15c: {  	p1 =	sne.s32 s5, s12;
	s0 =	sor.u32 @!p0 $0x1C09, s0;
	[bflag:$0x0] =	sbarrier.arrive $0xFFFF  }
0x15d: {  	[hbm:s11], [sflag:s0] =	dma.local @!p0 [spmem:s7], $0x3E80  }
.Ltmp5:
0x15e: {  	_ = 	snop;
	(pc) =	sbr.rel @p1 .LBB2_1-.Ltmp5, $4  }
0x15f: {  	s0 =	simm.s32 @!p0 $0x9  }
0x160: {  	_ =	swait.ge @!p0 [sflag:s0], $0x3E80  }
0x161: {  	[sflag:s0] =	ssyncset.done @!p0 $0x0  }
0x162: {  	[sflag:s0] =	ssyncadd.s32 @!p0 $0xFFFFC180  }
0x163: {  	_ =	sfence.sel $0x180000  }
0x164: {  	[bflag:$0x0] =	sbarrier.arrive $0xFFFF  }
0x165: {  	_ =	strace $0x90000047  }
0x166: {  	s0 =	stileid.u32;
	[bflag:$0x2] =	sbarrier.arrive $0xFFFF  }
0x167: {  	p0 =	sne.s32 s0, $0x0;
	s0 =	rddreg [dreg:$0x3]  }
0x168: {  	s0 =	sadd.s32 @!p0 $0x100000, s0  }
0x169: {  	[sflag:s0] =	ssyncadd.tile.s32 @!p0 $0x1;
	_ =	shalt  }
.Lfunc_end2:
_tile_overlayer_lowered:
.L_overlay_start_2:
0x16a: {  	(tag) =	ssettag $0x2  }
0x16b: {  	s0 =	rddreg [dreg:$0x0];
	s2 =	stileid.u32  }
0x16c: {  	s1 =	rddreg [dreg:$0x1];
	p0 =	sne.s32 s2, $0x0  }
0x16d: {  	s3 =	rddreg [dreg:$0x2];
	[bflag:$0x3] =	sbarrier.arrive $0xFFFF;
	s2 =	simm.s32 @!p0 $0x1C09  }
0x16e: {  	[timem:s3], [sflag:s2] =	dma.local @!p0 [hbm:s0], s1  }
0x16f: {  	s0 =	simm.s32 @!p0 $0x9  }
0x170: {  	_ =	swait.ge @!p0 [sflag:s0], s1  }
0x171: {  	s1 =	ssub.s32 @!p0 $0x0, s1;
	[sflag:s0] =	ssyncset.done @!p0 $0x0  }
0x172: {  	[sflag:s0] =	ssyncadd.s32 @!p0 s1  }
0x173: {  	[bflag:$0x3] =	sbarrier.arrive $0xFFFF  }
0x174: {  	_ =	shalt  }

</sc_bundles>
